<compile_context>
chip_gen: v7x
topology: tpu7x:2x2x1
jax: 0.10.2.dev20260603
libtpu: 0.0.44.dev20260713+nightly
codegen_flags: <defaults>
</compile_context>

<pallas_src>
import functools

import jax
import jax.numpy as jnp
from jax import lax
from jax.experimental import pallas as pl
from jax.experimental.pallas import tpu as pltpu
from jax.experimental.pallas import tpu_sc as plsc

N_NODES = 10000
K = 32
D = 128
HID = 32
OUT_U = 16
H = 4
E = N_NODES * K

_BN1 = 2000


def _mm_body(x_ref, w_ref, o_ref):
    o_ref[:] = jnp.dot(x_ref[:], w_ref[:], preferred_element_type=jnp.float32)


def _compute_pn(x, w1n):
    return pl.pallas_call(
        _mm_body,
        grid=(N_NODES // _BN1,),
        in_specs=[
            pl.BlockSpec((_BN1, D), lambda i: (i, 0)),
            pl.BlockSpec((D, HID), lambda i: (0, 0)),
        ],
        out_specs=pl.BlockSpec((_BN1, HID), lambda i: (i, 0)),
        out_shape=jax.ShapeDtypeStruct((N_NODES, HID), jnp.float32),
    )(x, w1n)


_CH = 1000


def _gather_body(nc, idx_hbm, pn_hbm, out_hbm, idx_all, rows0, rows1, sg0, sg1, ss0, ss1):
    c = lax.axis_index("c")
    s = lax.axis_index("s")
    wid = s * nc + c
    e_per_w = E // (nc * 16)
    nch = e_per_w // _CH
    base = wid * e_per_w
    pltpu.sync_copy(idx_hbm.at[pl.ds(base, e_per_w)], idx_all)
    rows = (rows0, rows1)
    gsem = (sg0, sg1)
    ssem = (ss0, ss1)
    gd = [None, None]
    sd = [None, None]
    for i in range(nch):
        b = i & 1
        if sd[b] is not None:
            sd[b].wait()
        gd[b] = pltpu.async_copy(
            pn_hbm.at[idx_all.at[pl.ds(i * _CH, _CH)]], rows[b], gsem[b]
        )
        if i >= 1:
            pb = 1 - b
            gd[pb].wait()
            sd[pb] = pltpu.async_copy(
                rows[pb], out_hbm.at[pl.ds(base + (i - 1) * _CH, _CH)], ssem[pb]
            )
    lb = (nch - 1) & 1
    gd[lb].wait()
    sd[lb] = pltpu.async_copy(
        rows[lb], out_hbm.at[pl.ds(base + (nch - 1) * _CH, _CH)], ssem[lb]
    )
    sd[0].wait()
    sd[1].wait()


def _gather(idx_flat, pn):
    info = plsc.get_sparse_core_info()
    e_per_w = E // (info.num_cores * info.num_subcores)
    mesh = plsc.VectorSubcoreMesh(core_axis_name="c", subcore_axis_name="s")
    fn = pl.kernel(
        functools.partial(_gather_body, info.num_cores),
        mesh=mesh,
        out_type=jax.ShapeDtypeStruct((E, HID), jnp.float32),
        scratch_types=[
            pltpu.VMEM((e_per_w,), jnp.int32),
            pltpu.VMEM((_CH, HID), jnp.float32),
            pltpu.VMEM((_CH, HID), jnp.float32),
            pltpu.SemaphoreType.DMA,
            pltpu.SemaphoreType.DMA,
            pltpu.SemaphoreType.DMA,
            pltpu.SemaphoreType.DMA,
        ],
        compiler_params=pltpu.CompilerParams(use_tc_tiling_on_sc=False, skip_device_barrier=True),
    )
    return fn(idx_flat, pn)


_BN3 = 400


def _agg_body(
    g_ref, x_ref, w1c_ref, t32_ref, b1_ref, w2bd_ref, b2_ref, wabd_ref, ba_ref,
    eexp_ref, sden_ref, masm_ref, o_ref,
):
    f32 = jnp.float32
    pc = jnp.dot(x_ref[:], w1c_ref[:], preferred_element_type=f32)
    pc_t = jnp.dot(pc, t32_ref[:], preferred_element_type=f32)
    h = jnp.maximum(g_ref[:] + pc_t + b1_ref[:], 0.0)
    t = jnp.maximum(
        jnp.dot(h, w2bd_ref[:], preferred_element_type=f32) + b2_ref[:], 0.0
    )
    att = jnp.maximum(
        jnp.dot(t, wabd_ref[:], preferred_element_type=f32) + ba_ref[:], 0.0
    )
    ex = jnp.exp(att)
    den = jnp.dot(ex, sden_ref[:], preferred_element_type=f32)
    pp = ex / den
    outs = []
    for a in range(H):
        w = jnp.dot(
            pp[:, K * a : K * (a + 1)], eexp_ref[:], preferred_element_type=f32
        )
        outs.append(
            jnp.dot(w * t, masm_ref[:], preferred_element_type=f32)
        )
    o_ref[:] = jnp.concatenate(outs, axis=1)


def _aggregate(gp, x, w1c, t32, b1p, w2bd, b2p, wabd, bap, eexp, sden, masm,
               interpret=False):
    nb = N_NODES // _BN3
    full = lambda shape: pl.BlockSpec(shape, lambda i: tuple(0 for _ in shape))
    return pl.pallas_call(
        _agg_body,
        grid=(nb,),
        in_specs=[
            pl.BlockSpec((_BN3, K * HID), lambda i: (i, 0)),
            pl.BlockSpec((_BN3, D), lambda i: (i, 0)),
            full((D, HID)),
            full((HID, K * HID)),
            full((1, K * HID)),
            full((K * HID, K * OUT_U)),
            full((1, K * OUT_U)),
            full((K * OUT_U, K * H)),
            full((1, K * H)),
            full((K, K * OUT_U)),
            full((K * H, K * H)),
            full((K * OUT_U, OUT_U)),
        ],
        out_specs=pl.BlockSpec((_BN3, H * OUT_U), lambda i: (i, 0)),
        out_shape=jax.ShapeDtypeStruct((N_NODES, H * OUT_U), jnp.float32),
        interpret=interpret,
    )(gp, x, w1c, t32, b1p, w2bd, b2p, wabd, bap, eexp, sden, masm)


def _stage3_constants(W1, b1, W2, b2, Wa, ba):
    f32 = jnp.float32
    w1c = W1[D:]
    t32 = jnp.kron(jnp.ones((1, K), f32), jnp.eye(HID, dtype=f32))
    b1p = jnp.tile(b1, K).reshape(1, K * HID)
    w2bd = jnp.kron(jnp.eye(K, dtype=f32), W2)
    b2p = jnp.tile(b2, K).reshape(1, K * OUT_U)
    wabd = jnp.kron(jnp.eye(K, dtype=f32), Wa)
    bap = jnp.tile(ba, K).reshape(1, K * H)
    eexp = jnp.kron(jnp.eye(K, dtype=f32), jnp.ones((1, OUT_U), f32))
    sden = jnp.kron(jnp.eye(K, dtype=f32), jnp.ones((H, H), f32))
    masm = jnp.kron(jnp.ones((K, 1), f32), jnp.eye(OUT_U, dtype=f32))
    return w1c, t32, b1p, w2bd, b2p, wabd, bap, eexp, sden, masm




def kernel(x, neighbor_idx, W1, b1, W2, b2, Wa, ba):
    w1n = W1[:D]
    pn = _compute_pn(x, w1n)
    idx_flat = neighbor_idx.reshape(-1).astype(jnp.int32)
    g = _gather(idx_flat, pn)
    gp = g.reshape(N_NODES, K * HID)
    consts = _stage3_constants(W1, b1, W2, b2, Wa, ba)
    return _aggregate(gp, x, *consts)

# --- scband reference (transcript-rebuilt; emitter-appended) ---
"""Pipeline reference for scband-sampling-aggregator-17824114279119 (READ-ONLY COPY).

The authoritative reference and input builder live on the scoring server;
editing this copy changes nothing except your own understanding.
"""

import jax, jax.numpy as jnp
import numpy as np

N_NODES = 10000
K_SAMPLE = 32
D_FEAT = 128
HIDDEN = 32
OUT_U = 16
N_HEADS = 4


def setup_inputs(seed: int = 0) -> dict:
    key = jax.random.key(seed)
    ks = jax.random.split(key, 8)
    x = jax.random.normal(ks[0], (N_NODES, D_FEAT), dtype=jnp.float32)
    neighbor_idx = jax.random.randint(ks[1], (N_NODES, K_SAMPLE), 0, N_NODES, dtype=jnp.int64 if jax.config.jax_enable_x64 else jnp.int32)
    # dense MLP params: Linear(2*D_FEAT -> HIDDEN), ReLU, Linear(HIDDEN -> OUT_U), ReLU
    W1 = jax.random.normal(ks[2], (2 * D_FEAT, HIDDEN), dtype=jnp.float32) * 0.05
    b1 = jnp.zeros((HIDDEN,), dtype=jnp.float32)
    W2 = jax.random.normal(ks[3], (HIDDEN, OUT_U), dtype=jnp.float32) * 0.1
    b2 = jnp.zeros((OUT_U,), dtype=jnp.float32)
    # attention heads: Linear(OUT_U -> N_HEADS), ReLU (attend_over_dense=True)
    Wa = jax.random.normal(ks[4], (OUT_U, N_HEADS), dtype=jnp.float32) * 0.1
    ba = jnp.zeros((N_HEADS,), dtype=jnp.float32)
    return {"x": x, "neighbor_idx": neighbor_idx, "W1": W1, "b1": b1, "W2": W2, "b2": b2, "Wa": Wa, "ba": ba}


def reference(x, neighbor_idx, W1, b1, W2, b2, Wa, ba):
    N, K = neighbor_idx.shape
    d = x.shape[1]
    H = Wa.shape[1]
    out_u = W2.shape[1]
    # embedder == identity: x already holds node embeddings.
    # gather per-(node, sampled-neighbor) pairs: neigh_tensors = tensors[[neigh, node], :] then reshape to [K, 2d]
    emb_n = jnp.take(x, neighbor_idx, axis=0)                      # [N, K, d] gather
    emb_c = jnp.broadcast_to(x[:, None, :], (N, K, d))             # center node repeated per neighbor
    neigh_tensors = jnp.concatenate([emb_n, emb_c], axis=-1)       # [N, K, 2d]
    # peek_dense is None (peeking_units=0) so no peek concat
    h = jax.nn.relu(neigh_tensors @ W1 + b1)                       # [N, K, HIDDEN]
    t = jax.nn.relu(h @ W2 + b2)                                   # [N, K, OUT_U]
    # attention heads (attend_over_dense=True => input is t)
    att = jax.nn.relu(t @ Wa + ba)                                 # [N, K, H]
    # attention_max = Softmax(dim=1) over heads for a [K, H] tensor
    att_prb = jax.nn.softmax(att, axis=-1)                         # [N, K, H]
    # faithful raw reshape: [K, H] -> (H, K, 1) per node
    att_rep = att_prb.reshape(N, H, K, 1)
    t_rep = jnp.broadcast_to(t[:, None, :, :], (N, H, K, out_u))   # tensors.repeat(heads,1,1)
    t_att = att_rep * t_rep                                        # [N, H, K, OUT_U]
    t_tsp = jnp.transpose(t_att, (0, 2, 1, 3))                     # transpose(0,1) per node -> [N, K, H, OUT_U]
    agg_in = t_tsp.reshape(N, K, H * out_u)                        # attention_concat
    node_out = jnp.sum(agg_in, axis=1)                             # combine_sum over neighbors (dim=0 per node)
    return node_out                                                # [N, H*OUT_U] (include_node=False)

if __name__ == "__main__":
    import jax
    _d = setup_inputs()
    print(jax.jit(kernel)(*tuple(_d.values())))

</pallas_src>

<mosaic_0001>
#map = affine_map<(d0, d1) -> (0)>
#map1 = affine_map<(d0, d1) -> (0, 0)>
module attributes {stable_mosaic.version = 14 : i64} {
  func.func @_gather_body(%arg0: i32, %arg1: i32, %arg2: memref<320000xi32, #tpu.memory_space<hbm>>, %arg3: memref<10000x32xf32, #tpu.memory_space<hbm>>, %arg4: memref<320000x32xf32, #tpu.memory_space<hbm>>, %arg5: memref<10000xi32, #tpu.memory_space<vmem>>, %arg6: memref<1000x32xf32, #tpu.memory_space<vmem>>, %arg7: memref<1000x32xf32, #tpu.memory_space<vmem>>, %arg8: memref<!tpu.dma_semaphore, #tpu.memory_space<semaphore_mem>>, %arg9: memref<!tpu.dma_semaphore, #tpu.memory_space<semaphore_mem>>, %arg10: memref<!tpu.dma_semaphore, #tpu.memory_space<semaphore_mem>>, %arg11: memref<!tpu.dma_semaphore, #tpu.memory_space<semaphore_mem>>) attributes {dimension_semantics = [#tpu.dimension_semantics<core_parallel>, #tpu.dimension_semantics<subcore_parallel>], iteration_bounds = array<i64: 2, 16>, scalar_prefetch = 0 : i64, scratch_operands = 7 : i64, tpu.core_type = #tpu.core_type<sc_vector_subcore>, window_params = [{transform_indices = #map}, {transform_indices = #map1}, {transform_indices = #map1}]} {
    %mul3A = arith.constant 2 : i32
    %mul3A_0 = arith.muli %arg1, %mul3A : i32
    %add3A = arith.addi %mul3A_0, %arg0 : i32
    %mul3A_1 = arith.constant 10000 : i32
    %mul3A_2 = arith.muli %add3A, %mul3A_1 : i32
    "tpu.region"() ({
      %run_scoped3A = tpu.sem_alloc : memref<!tpu.dma_semaphore, #tpu.memory_space<semaphore_mem>>
      %dma_start3A_201 = tpu.memref_slice %arg2[%mul3A_2] : memref<320000xi32, #tpu.memory_space<hbm>> -> memref<10000xi32, #tpu.memory_space<hbm>>
      %dma_start3A_202 = tpu.memref_slice %arg2[%mul3A_2] : memref<320000xi32, #tpu.memory_space<hbm>> -> memref<10000xi32, #tpu.memory_space<hbm>>
      tpu.enqueue_dma source(%dma_start3A_202 : memref<10000xi32, #tpu.memory_space<hbm>>) target(%arg5 : memref<10000xi32, #tpu.memory_space<vmem>>) target_semaphore(%run_scoped3A : memref<!tpu.dma_semaphore, #tpu.memory_space<semaphore_mem>>)
      %dma_wait3A_203 = tpu.memref_slice %arg2[%mul3A_2] : memref<320000xi32, #tpu.memory_space<hbm>> -> memref<10000xi32, #tpu.memory_space<hbm>>
      %dma_wait3A_204 = tpu.memref_slice %arg2[%mul3A_2] : memref<320000xi32, #tpu.memory_space<hbm>> -> memref<10000xi32, #tpu.memory_space<hbm>>
      tpu.wait_dma2 semaphore(%run_scoped3A : memref<!tpu.dma_semaphore, #tpu.memory_space<semaphore_mem>>) src(%dma_wait3A_204 : memref<10000xi32, #tpu.memory_space<hbm>>) dst(%arg5 : memref<10000xi32, #tpu.memory_space<vmem>>)
      tpu.yield
    }) : () -> ()
    %dma_start3A = arith.constant 0 : i32
    %dma_start3A_3 = tpu.memref_slice %arg5[%dma_start3A] : memref<10000xi32, #tpu.memory_space<vmem>> -> memref<1000xi32, #tpu.memory_space<vmem>>
    %dma_start3A_4 = arith.constant 0 : i32
    %dma_start3A_5 = arith.constant 0 : i32
    %dma_start3A_6 = tpu.memref_slice %arg3[%dma_start3A_4, %dma_start3A_5] : memref<10000x32xf32, #tpu.memory_space<hbm>> -> memref<10000x32xf32, #tpu.memory_space<hbm>>
    tpu.enqueue_indirect_dma source(%dma_start3A_6 : memref<10000x32xf32, #tpu.memory_space<hbm>>) target(%arg6 : memref<1000x32xf32, #tpu.memory_space<vmem>>) offsets(%dma_start3A_3 : memref<1000xi32, #tpu.memory_space<vmem>>) semaphore(%arg8 : memref<!tpu.dma_semaphore, #tpu.memory_space<semaphore_mem>>)
    %dma_start3A_7 = arith.constant 1000 : i32
    %dma_start3A_8 = tpu.memref_slice %arg5[%dma_start3A_7] : memref<10000xi32, #tpu.memory_space<vmem>> -> memref<1000xi32, #tpu.memory_space<vmem>>
    %dma_start3A_9 = arith.constant 0 : i32
    %dma_start3A_10 = arith.constant 0 : i32
    %dma_start3A_11 = tpu.memref_slice %arg3[%dma_start3A_9, %dma_start3A_10] : memref<10000x32xf32, #tpu.memory_space<hbm>> -> memref<10000x32xf32, #tpu.memory_space<hbm>>
    tpu.enqueue_indirect_dma source(%dma_start3A_11 : memref<10000x32xf32, #tpu.memory_space<hbm>>) target(%arg7 : memref<1000x32xf32, #tpu.memory_space<vmem>>) offsets(%dma_start3A_8 : memref<1000xi32, #tpu.memory_space<vmem>>) semaphore(%arg9 : memref<!tpu.dma_semaphore, #tpu.memory_space<semaphore_mem>>)
    %dma_wait3A = arith.constant 0 : i32
    %dma_wait3A_12 = tpu.memref_slice %arg5[%dma_wait3A] : memref<10000xi32, #tpu.memory_space<vmem>> -> memref<1000xi32, #tpu.memory_space<vmem>>
    %dma_wait3A_13 = arith.constant 0 : i32
    %dma_wait3A_14 = arith.constant 0 : i32
    %dma_wait3A_15 = tpu.memref_slice %arg3[%dma_wait3A_13, %dma_wait3A_14] : memref<10000x32xf32, #tpu.memory_space<hbm>> -> memref<10000x32xf32, #tpu.memory_space<hbm>>
    tpu.wait_indirect_dma semaphore(%arg8 : memref<!tpu.dma_semaphore, #tpu.memory_space<semaphore_mem>>) src(%dma_wait3A_15 : memref<10000x32xf32, #tpu.memory_space<hbm>>) dst(%arg6 : memref<1000x32xf32, #tpu.memory_space<vmem>>)
    %add3A_16 = arith.constant 0 : i32
    %add3A_17 = arith.addi %mul3A_2, %add3A_16 : i32
    %dma_start3A_18 = arith.constant 0 : i32
    %dma_start3A_19 = tpu.memref_slice %arg4[%add3A_17, %dma_start3A_18] : memref<320000x32xf32, #tpu.memory_space<hbm>> -> memref<1000x32xf32, #tpu.memory_space<hbm>>
    %dma_start3A_20 = arith.constant 0 : i32
    %dma_start3A_21 = tpu.memref_slice %arg4[%add3A_17, %dma_start3A_20] : memref<320000x32xf32, #tpu.memory_space<hbm>> -> memref<1000x32xf32, #tpu.memory_space<hbm>>
    tpu.enqueue_dma source(%arg6 : memref<1000x32xf32, #tpu.memory_space<vmem>>) target(%dma_start3A_21 : memref<1000x32xf32, #tpu.memory_space<hbm>>) target_semaphore(%arg10 : memref<!tpu.dma_semaphore, #tpu.memory_space<semaphore_mem>>)
    %dma_wait3A_22 = arith.constant 0 : i32
    %dma_wait3A_23 = tpu.memref_slice %arg4[%add3A_17, %dma_wait3A_22] : memref<320000x32xf32, #tpu.memory_space<hbm>> -> memref<1000x32xf32, #tpu.memory_space<hbm>>
    %dma_wait3A_24 = arith.constant 0 : i32
    %dma_wait3A_25 = tpu.memref_slice %arg4[%add3A_17, %dma_wait3A_24] : memref<320000x32xf32, #tpu.memory_space<hbm>> -> memref<1000x32xf32, #tpu.memory_space<hbm>>
    tpu.wait_dma2 semaphore(%arg10 : memref<!tpu.dma_semaphore, #tpu.memory_space<semaphore_mem>>) src(%arg6 : memref<1000x32xf32, #tpu.memory_space<vmem>>) dst(%dma_wait3A_25 : memref<1000x32xf32, #tpu.memory_space<hbm>>)
    %dma_start3A_26 = arith.constant 2000 : i32
    %dma_start3A_27 = tpu.memref_slice %arg5[%dma_start3A_26] : memref<10000xi32, #tpu.memory_space<vmem>> -> memref<1000xi32, #tpu.memory_space<vmem>>
    %dma_start3A_28 = arith.constant 0 : i32
    %dma_start3A_29 = arith.constant 0 : i32
    %dma_start3A_30 = tpu.memref_slice %arg3[%dma_start3A_28, %dma_start3A_29] : memref<10000x32xf32, #tpu.memory_space<hbm>> -> memref<10000x32xf32, #tpu.memory_space<hbm>>
    tpu.enqueue_indirect_dma source(%dma_start3A_30 : memref<10000x32xf32, #tpu.memory_space<hbm>>) target(%arg6 : memref<1000x32xf32, #tpu.memory_space<vmem>>) offsets(%dma_start3A_27 : memref<1000xi32, #tpu.memory_space<vmem>>) semaphore(%arg8 : memref<!tpu.dma_semaphore, #tpu.memory_space<semaphore_mem>>)
    %dma_wait3A_31 = arith.constant 1000 : i32
    %dma_wait3A_32 = tpu.memref_slice %arg5[%dma_wait3A_31] : memref<10000xi32, #tpu.memory_space<vmem>> -> memref<1000xi32, #tpu.memory_space<vmem>>
    %dma_wait3A_33 = arith.constant 0 : i32
    %dma_wait3A_34 = arith.constant 0 : i32
    %dma_wait3A_35 = tpu.memref_slice %arg3[%dma_wait3A_33, %dma_wait3A_34] : memref<10000x32xf32, #tpu.memory_space<hbm>> -> memref<10000x32xf32, #tpu.memory_space<hbm>>
    tpu.wait_indirect_dma semaphore(%arg9 : memref<!tpu.dma_semaphore, #tpu.memory_space<semaphore_mem>>) src(%dma_wait3A_35 : memref<10000x32xf32, #tpu.memory_space<hbm>>) dst(%arg7 : memref<1000x32xf32, #tpu.memory_space<vmem>>)
    %add3A_36 = arith.constant 1000 : i32
    %add3A_37 = arith.addi %mul3A_2, %add3A_36 : i32
    %dma_start3A_38 = arith.constant 0 : i32
    %dma_start3A_39 = tpu.memref_slice %arg4[%add3A_37, %dma_start3A_38] : memref<320000x32xf32, #tpu.memory_space<hbm>> -> memref<1000x32xf32, #tpu.memory_space<hbm>>
    %dma_start3A_40 = arith.constant 0 : i32
    %dma_start3A_41 = tpu.memref_slice %arg4[%add3A_37, %dma_start3A_40] : memref<320000x32xf32, #tpu.memory_space<hbm>> -> memref<1000x32xf32, #tpu.memory_space<hbm>>
    tpu.enqueue_dma source(%arg7 : memref<1000x32xf32, #tpu.memory_space<vmem>>) target(%dma_start3A_41 : memref<1000x32xf32, #tpu.memory_space<hbm>>) target_semaphore(%arg11 : memref<!tpu.dma_semaphore, #tpu.memory_space<semaphore_mem>>)
    %dma_wait3A_42 = arith.constant 0 : i32
    %dma_wait3A_43 = tpu.memref_slice %arg4[%add3A_37, %dma_wait3A_42] : memref<320000x32xf32, #tpu.memory_space<hbm>> -> memref<1000x32xf32, #tpu.memory_space<hbm>>
    %dma_wait3A_44 = arith.constant 0 : i32
    %dma_wait3A_45 = tpu.memref_slice %arg4[%add3A_37, %dma_wait3A_44] : memref<320000x32xf32, #tpu.memory_space<hbm>> -> memref<1000x32xf32, #tpu.memory_space<hbm>>
    tpu.wait_dma2 semaphore(%arg11 : memref<!tpu.dma_semaphore, #tpu.memory_space<semaphore_mem>>) src(%arg7 : memref<1000x32xf32, #tpu.memory_space<vmem>>) dst(%dma_wait3A_45 : memref<1000x32xf32, #tpu.memory_space<hbm>>)
    %dma_start3A_46 = arith.constant 3000 : i32
    %dma_start3A_47 = tpu.memref_slice %arg5[%dma_start3A_46] : memref<10000xi32, #tpu.memory_space<vmem>> -> memref<1000xi32, #tpu.memory_space<vmem>>
    %dma_start3A_48 = arith.constant 0 : i32
    %dma_start3A_49 = arith.constant 0 : i32
    %dma_start3A_50 = tpu.memref_slice %arg3[%dma_start3A_48, %dma_start3A_49] : memref<10000x32xf32, #tpu.memory_space<hbm>> -> memref<10000x32xf32, #tpu.memory_space<hbm>>
    tpu.enqueue_indirect_dma source(%dma_start3A_50 : memref<10000x32xf32, #tpu.memory_space<hbm>>) target(%arg7 : memref<1000x32xf32, #tpu.memory_space<vmem>>) offsets(%dma_start3A_47 : memref<1000xi32, #tpu.memory_space<vmem>>) semaphore(%arg9 : memref<!tpu.dma_semaphore, #tpu.memory_space<semaphore_mem>>)
    %dma_wait3A_51 = arith.constant 2000 : i32
    %dma_wait3A_52 = tpu.memref_slice %arg5[%dma_wait3A_51] : memref<10000xi32, #tpu.memory_space<vmem>> -> memref<1000xi32, #tpu.memory_space<vmem>>
    %dma_wait3A_53 = arith.constant 0 : i32
    %dma_wait3A_54 = arith.constant 0 : i32
    %dma_wait3A_55 = tpu.memref_slice %arg3[%dma_wait3A_53, %dma_wait3A_54] : memref<10000x32xf32, #tpu.memory_space<hbm>> -> memref<10000x32xf32, #tpu.memory_space<hbm>>
    tpu.wait_indirect_dma semaphore(%arg8 : memref<!tpu.dma_semaphore, #tpu.memory_space<semaphore_mem>>) src(%dma_wait3A_55 : memref<10000x32xf32, #tpu.memory_space<hbm>>) dst(%arg6 : memref<1000x32xf32, #tpu.memory_space<vmem>>)
    %add3A_56 = arith.constant 2000 : i32
    %add3A_57 = arith.addi %mul3A_2, %add3A_56 : i32
    %dma_start3A_58 = arith.constant 0 : i32
    %dma_start3A_59 = tpu.memref_slice %arg4[%add3A_57, %dma_start3A_58] : memref<320000x32xf32, #tpu.memory_space<hbm>> -> memref<1000x32xf32, #tpu.memory_space<hbm>>
    %dma_start3A_60 = arith.constant 0 : i32
    %dma_start3A_61 = tpu.memref_slice %arg4[%add3A_57, %dma_start3A_60] : memref<320000x32xf32, #tpu.memory_space<hbm>> -> memref<1000x32xf32, #tpu.memory_space<hbm>>
    tpu.enqueue_dma source(%arg6 : memref<1000x32xf32, #tpu.memory_space<vmem>>) target(%dma_start3A_61 : memref<1000x32xf32, #tpu.memory_space<hbm>>) target_semaphore(%arg10 : memref<!tpu.dma_semaphore, #tpu.memory_space<semaphore_mem>>)
    %dma_wait3A_62 = arith.constant 0 : i32
    %dma_wait3A_63 = tpu.memref_slice %arg4[%add3A_57, %dma_wait3A_62] : memref<320000x32xf32, #tpu.memory_space<hbm>> -> memref<1000x32xf32, #tpu.memory_space<hbm>>
    %dma_wait3A_64 = arith.constant 0 : i32
    %dma_wait3A_65 = tpu.memref_slice %arg4[%add3A_57, %dma_wait3A_64] : memref<320000x32xf32, #tpu.memory_space<hbm>> -> memref<1000x32xf32, #tpu.memory_space<hbm>>
    tpu.wait_dma2 semaphore(%arg10 : memref<!tpu.dma_semaphore, #tpu.memory_space<semaphore_mem>>) src(%arg6 : memref<1000x32xf32, #tpu.memory_space<vmem>>) dst(%dma_wait3A_65 : memref<1000x32xf32, #tpu.memory_space<hbm>>)
    %dma_start3A_66 = arith.constant 4000 : i32
    %dma_start3A_67 = tpu.memref_slice %arg5[%dma_start3A_66] : memref<10000xi32, #tpu.memory_space<vmem>> -> memref<1000xi32, #tpu.memory_space<vmem>>
    %dma_start3A_68 = arith.constant 0 : i32
    %dma_start3A_69 = arith.constant 0 : i32
    %dma_start3A_70 = tpu.memref_slice %arg3[%dma_start3A_68, %dma_start3A_69] : memref<10000x32xf32, #tpu.memory_space<hbm>> -> memref<10000x32xf32, #tpu.memory_space<hbm>>
    tpu.enqueue_indirect_dma source(%dma_start3A_70 : memref<10000x32xf32, #tpu.memory_space<hbm>>) target(%arg6 : memref<1000x32xf32, #tpu.memory_space<vmem>>) offsets(%dma_start3A_67 : memref<1000xi32, #tpu.memory_space<vmem>>) semaphore(%arg8 : memref<!tpu.dma_semaphore, #tpu.memory_space<semaphore_mem>>)
    %dma_wait3A_71 = arith.constant 3000 : i32
    %dma_wait3A_72 = tpu.memref_slice %arg5[%dma_wait3A_71] : memref<10000xi32, #tpu.memory_space<vmem>> -> memref<1000xi32, #tpu.memory_space<vmem>>
    %dma_wait3A_73 = arith.constant 0 : i32
    %dma_wait3A_74 = arith.constant 0 : i32
    %dma_wait3A_75 = tpu.memref_slice %arg3[%dma_wait3A_73, %dma_wait3A_74] : memref<10000x32xf32, #tpu.memory_space<hbm>> -> memref<10000x32xf32, #tpu.memory_space<hbm>>
    tpu.wait_indirect_dma semaphore(%arg9 : memref<!tpu.dma_semaphore, #tpu.memory_space<semaphore_mem>>) src(%dma_wait3A_75 : memref<10000x32xf32, #tpu.memory_space<hbm>>) dst(%arg7 : memref<1000x32xf32, #tpu.memory_space<vmem>>)
    %add3A_76 = arith.constant 3000 : i32
    %add3A_77 = arith.addi %mul3A_2, %add3A_76 : i32
    %dma_start3A_78 = arith.constant 0 : i32
    %dma_start3A_79 = tpu.memref_slice %arg4[%add3A_77, %dma_start3A_78] : memref<320000x32xf32, #tpu.memory_space<hbm>> -> memref<1000x32xf32, #tpu.memory_space<hbm>>
    %dma_start3A_80 = arith.constant 0 : i32
    %dma_start3A_81 = tpu.memref_slice %arg4[%add3A_77, %dma_start3A_80] : memref<320000x32xf32, #tpu.memory_space<hbm>> -> memref<1000x32xf32, #tpu.memory_space<hbm>>
    tpu.enqueue_dma source(%arg7 : memref<1000x32xf32, #tpu.memory_space<vmem>>) target(%dma_start3A_81 : memref<1000x32xf32, #tpu.memory_space<hbm>>) target_semaphore(%arg11 : memref<!tpu.dma_semaphore, #tpu.memory_space<semaphore_mem>>)
    %dma_wait3A_82 = arith.constant 0 : i32
    %dma_wait3A_83 = tpu.memref_slice %arg4[%add3A_77, %dma_wait3A_82] : memref<320000x32xf32, #tpu.memory_space<hbm>> -> memref<1000x32xf32, #tpu.memory_space<hbm>>
    %dma_wait3A_84 = arith.constant 0 : i32
    %dma_wait3A_85 = tpu.memref_slice %arg4[%add3A_77, %dma_wait3A_84] : memref<320000x32xf32, #tpu.memory_space<hbm>> -> memref<1000x32xf32, #tpu.memory_space<hbm>>
    tpu.wait_dma2 semaphore(%arg11 : memref<!tpu.dma_semaphore, #tpu.memory_space<semaphore_mem>>) src(%arg7 : memref<1000x32xf32, #tpu.memory_space<vmem>>) dst(%dma_wait3A_85 : memref<1000x32xf32, #tpu.memory_space<hbm>>)
    %dma_start3A_86 = arith.constant 5000 : i32
    %dma_start3A_87 = tpu.memref_slice %arg5[%dma_start3A_86] : memref<10000xi32, #tpu.memory_space<vmem>> -> memref<1000xi32, #tpu.memory_space<vmem>>
    %dma_start3A_88 = arith.constant 0 : i32
    %dma_start3A_89 = arith.constant 0 : i32
    %dma_start3A_90 = tpu.memref_slice %arg3[%dma_start3A_88, %dma_start3A_89] : memref<10000x32xf32, #tpu.memory_space<hbm>> -> memref<10000x32xf32, #tpu.memory_space<hbm>>
    tpu.enqueue_indirect_dma source(%dma_start3A_90 : memref<10000x32xf32, #tpu.memory_space<hbm>>) target(%arg7 : memref<1000x32xf32, #tpu.memory_space<vmem>>) offsets(%dma_start3A_87 : memref<1000xi32, #tpu.memory_space<vmem>>) semaphore(%arg9 : memref<!tpu.dma_semaphore, #tpu.memory_space<semaphore_mem>>)
    %dma_wait3A_91 = arith.constant 4000 : i32
    %dma_wait3A_92 = tpu.memref_slice %arg5[%dma_wait3A_91] : memref<10000xi32, #tpu.memory_space<vmem>> -> memref<1000xi32, #tpu.memory_space<vmem>>
    %dma_wait3A_93 = arith.constant 0 : i32
    %dma_wait3A_94 = arith.constant 0 : i32
    %dma_wait3A_95 = tpu.memref_slice %arg3[%dma_wait3A_93, %dma_wait3A_94] : memref<10000x32xf32, #tpu.memory_space<hbm>> -> memref<10000x32xf32, #tpu.memory_space<hbm>>
    tpu.wait_indirect_dma semaphore(%arg8 : memref<!tpu.dma_semaphore, #tpu.memory_space<semaphore_mem>>) src(%dma_wait3A_95 : memref<10000x32xf32, #tpu.memory_space<hbm>>) dst(%arg6 : memref<1000x32xf32, #tpu.memory_space<vmem>>)
    %add3A_96 = arith.constant 4000 : i32
    %add3A_97 = arith.addi %mul3A_2, %add3A_96 : i32
    %dma_start3A_98 = arith.constant 0 : i32
    %dma_start3A_99 = tpu.memref_slice %arg4[%add3A_97, %dma_start3A_98] : memref<320000x32xf32, #tpu.memory_space<hbm>> -> memref<1000x32xf32, #tpu.memory_space<hbm>>
    %dma_start3A_100 = arith.constant 0 : i32
    %dma_start3A_101 = tpu.memref_slice %arg4[%add3A_97, %dma_start3A_100] : memref<320000x32xf32, #tpu.memory_space<hbm>> -> memref<1000x32xf32, #tpu.memory_space<hbm>>
    tpu.enqueue_dma source(%arg6 : memref<1000x32xf32, #tpu.memory_space<vmem>>) target(%dma_start3A_101 : memref<1000x32xf32, #tpu.memory_space<hbm>>) target_semaphore(%arg10 : memref<!tpu.dma_semaphore, #tpu.memory_space<semaphore_mem>>)
    %dma_wait3A_102 = arith.constant 0 : i32
    %dma_wait3A_103 = tpu.memref_slice %arg4[%add3A_97, %dma_wait3A_102] : memref<320000x32xf32, #tpu.memory_space<hbm>> -> memref<1000x32xf32, #tpu.memory_space<hbm>>
    %dma_wait3A_104 = arith.constant 0 : i32
    %dma_wait3A_105 = tpu.memref_slice %arg4[%add3A_97, %dma_wait3A_104] : memref<320000x32xf32, #tpu.memory_space<hbm>> -> memref<1000x32xf32, #tpu.memory_space<hbm>>
    tpu.wait_dma2 semaphore(%arg10 : memref<!tpu.dma_semaphore, #tpu.memory_space<semaphore_mem>>) src(%arg6 : memref<1000x32xf32, #tpu.memory_space<vmem>>) dst(%dma_wait3A_105 : memref<1000x32xf32, #tpu.memory_space<hbm>>)
    %dma_start3A_106 = arith.constant 6000 : i32
    %dma_start3A_107 = tpu.memref_slice %arg5[%dma_start3A_106] : memref<10000xi32, #tpu.memory_space<vmem>> -> memref<1000xi32, #tpu.memory_space<vmem>>
    %dma_start3A_108 = arith.constant 0 : i32
    %dma_start3A_109 = arith.constant 0 : i32
    %dma_start3A_110 = tpu.memref_slice %arg3[%dma_start3A_108, %dma_start3A_109] : memref<10000x32xf32, #tpu.memory_space<hbm>> -> memref<10000x32xf32, #tpu.memory_space<hbm>>
    tpu.enqueue_indirect_dma source(%dma_start3A_110 : memref<10000x32xf32, #tpu.memory_space<hbm>>) target(%arg6 : memref<1000x32xf32, #tpu.memory_space<vmem>>) offsets(%dma_start3A_107 : memref<1000xi32, #tpu.memory_space<vmem>>) semaphore(%arg8 : memref<!tpu.dma_semaphore, #tpu.memory_space<semaphore_mem>>)
    %dma_wait3A_111 = arith.constant 5000 : i32
    %dma_wait3A_112 = tpu.memref_slice %arg5[%dma_wait3A_111] : memref<10000xi32, #tpu.memory_space<vmem>> -> memref<1000xi32, #tpu.memory_space<vmem>>
    %dma_wait3A_113 = arith.constant 0 : i32
    %dma_wait3A_114 = arith.constant 0 : i32
    %dma_wait3A_115 = tpu.memref_slice %arg3[%dma_wait3A_113, %dma_wait3A_114] : memref<10000x32xf32, #tpu.memory_space<hbm>> -> memref<10000x32xf32, #tpu.memory_space<hbm>>
    tpu.wait_indirect_dma semaphore(%arg9 : memref<!tpu.dma_semaphore, #tpu.memory_space<semaphore_mem>>) src(%dma_wait3A_115 : memref<10000x32xf32, #tpu.memory_space<hbm>>) dst(%arg7 : memref<1000x32xf32, #tpu.memory_space<vmem>>)
    %add3A_116 = arith.constant 5000 : i32
    %add3A_117 = arith.addi %mul3A_2, %add3A_116 : i32
    %dma_start3A_118 = arith.constant 0 : i32
    %dma_start3A_119 = tpu.memref_slice %arg4[%add3A_117, %dma_start3A_118] : memref<320000x32xf32, #tpu.memory_space<hbm>> -> memref<1000x32xf32, #tpu.memory_space<hbm>>
    %dma_start3A_120 = arith.constant 0 : i32
    %dma_start3A_121 = tpu.memref_slice %arg4[%add3A_117, %dma_start3A_120] : memref<320000x32xf32, #tpu.memory_space<hbm>> -> memref<1000x32xf32, #tpu.memory_space<hbm>>
    tpu.enqueue_dma source(%arg7 : memref<1000x32xf32, #tpu.memory_space<vmem>>) target(%dma_start3A_121 : memref<1000x32xf32, #tpu.memory_space<hbm>>) target_semaphore(%arg11 : memref<!tpu.dma_semaphore, #tpu.memory_space<semaphore_mem>>)
    %dma_wait3A_122 = arith.constant 0 : i32
    %dma_wait3A_123 = tpu.memref_slice %arg4[%add3A_117, %dma_wait3A_122] : memref<320000x32xf32, #tpu.memory_space<hbm>> -> memref<1000x32xf32, #tpu.memory_space<hbm>>
    %dma_wait3A_124 = arith.constant 0 : i32
    %dma_wait3A_125 = tpu.memref_slice %arg4[%add3A_117, %dma_wait3A_124] : memref<320000x32xf32, #tpu.memory_space<hbm>> -> memref<1000x32xf32, #tpu.memory_space<hbm>>
    tpu.wait_dma2 semaphore(%arg11 : memref<!tpu.dma_semaphore, #tpu.memory_space<semaphore_mem>>) src(%arg7 : memref<1000x32xf32, #tpu.memory_space<vmem>>) dst(%dma_wait3A_125 : memref<1000x32xf32, #tpu.memory_space<hbm>>)
    %dma_start3A_126 = arith.constant 7000 : i32
    %dma_start3A_127 = tpu.memref_slice %arg5[%dma_start3A_126] : memref<10000xi32, #tpu.memory_space<vmem>> -> memref<1000xi32, #tpu.memory_space<vmem>>
    %dma_start3A_128 = arith.constant 0 : i32
    %dma_start3A_129 = arith.constant 0 : i32
    %dma_start3A_130 = tpu.memref_slice %arg3[%dma_start3A_128, %dma_start3A_129] : memref<10000x32xf32, #tpu.memory_space<hbm>> -> memref<10000x32xf32, #tpu.memory_space<hbm>>
    tpu.enqueue_indirect_dma source(%dma_start3A_130 : memref<10000x32xf32, #tpu.memory_space<hbm>>) target(%arg7 : memref<1000x32xf32, #tpu.memory_space<vmem>>) offsets(%dma_start3A_127 : memref<1000xi32, #tpu.memory_space<vmem>>) semaphore(%arg9 : memref<!tpu.dma_semaphore, #tpu.memory_space<semaphore_mem>>)
    %dma_wait3A_131 = arith.constant 6000 : i32
    %dma_wait3A_132 = tpu.memref_slice %arg5[%dma_wait3A_131] : memref<10000xi32, #tpu.memory_space<vmem>> -> memref<1000xi32, #tpu.memory_space<vmem>>
    %dma_wait3A_133 = arith.constant 0 : i32
    %dma_wait3A_134 = arith.constant 0 : i32
    %dma_wait3A_135 = tpu.memref_slice %arg3[%dma_wait3A_133, %dma_wait3A_134] : memref<10000x32xf32, #tpu.memory_space<hbm>> -> memref<10000x32xf32, #tpu.memory_space<hbm>>
    tpu.wait_indirect_dma semaphore(%arg8 : memref<!tpu.dma_semaphore, #tpu.memory_space<semaphore_mem>>) src(%dma_wait3A_135 : memref<10000x32xf32, #tpu.memory_space<hbm>>) dst(%arg6 : memref<1000x32xf32, #tpu.memory_space<vmem>>)
    %add3A_136 = arith.constant 6000 : i32
    %add3A_137 = arith.addi %mul3A_2, %add3A_136 : i32
    %dma_start3A_138 = arith.constant 0 : i32
    %dma_start3A_139 = tpu.memref_slice %arg4[%add3A_137, %dma_start3A_138] : memref<320000x32xf32, #tpu.memory_space<hbm>> -> memref<1000x32xf32, #tpu.memory_space<hbm>>
    %dma_start3A_140 = arith.constant 0 : i32
    %dma_start3A_141 = tpu.memref_slice %arg4[%add3A_137, %dma_start3A_140] : memref<320000x32xf32, #tpu.memory_space<hbm>> -> memref<1000x32xf32, #tpu.memory_space<hbm>>
    tpu.enqueue_dma source(%arg6 : memref<1000x32xf32, #tpu.memory_space<vmem>>) target(%dma_start3A_141 : memref<1000x32xf32, #tpu.memory_space<hbm>>) target_semaphore(%arg10 : memref<!tpu.dma_semaphore, #tpu.memory_space<semaphore_mem>>)
    %dma_wait3A_142 = arith.constant 0 : i32
    %dma_wait3A_143 = tpu.memref_slice %arg4[%add3A_137, %dma_wait3A_142] : memref<320000x32xf32, #tpu.memory_space<hbm>> -> memref<1000x32xf32, #tpu.memory_space<hbm>>
    %dma_wait3A_144 = arith.constant 0 : i32
    %dma_wait3A_145 = tpu.memref_slice %arg4[%add3A_137, %dma_wait3A_144] : memref<320000x32xf32, #tpu.memory_space<hbm>> -> memref<1000x32xf32, #tpu.memory_space<hbm>>
    tpu.wait_dma2 semaphore(%arg10 : memref<!tpu.dma_semaphore, #tpu.memory_space<semaphore_mem>>) src(%arg6 : memref<1000x32xf32, #tpu.memory_space<vmem>>) dst(%dma_wait3A_145 : memref<1000x32xf32, #tpu.memory_space<hbm>>)
    %dma_start3A_146 = arith.constant 8000 : i32
    %dma_start3A_147 = tpu.memref_slice %arg5[%dma_start3A_146] : memref<10000xi32, #tpu.memory_space<vmem>> -> memref<1000xi32, #tpu.memory_space<vmem>>
    %dma_start3A_148 = arith.constant 0 : i32
    %dma_start3A_149 = arith.constant 0 : i32
    %dma_start3A_150 = tpu.memref_slice %arg3[%dma_start3A_148, %dma_start3A_149] : memref<10000x32xf32, #tpu.memory_space<hbm>> -> memref<10000x32xf32, #tpu.memory_space<hbm>>
    tpu.enqueue_indirect_dma source(%dma_start3A_150 : memref<10000x32xf32, #tpu.memory_space<hbm>>) target(%arg6 : memref<1000x32xf32, #tpu.memory_space<vmem>>) offsets(%dma_start3A_147 : memref<1000xi32, #tpu.memory_space<vmem>>) semaphore(%arg8 : memref<!tpu.dma_semaphore, #tpu.memory_space<semaphore_mem>>)
    %dma_wait3A_151 = arith.constant 7000 : i32
    %dma_wait3A_152 = tpu.memref_slice %arg5[%dma_wait3A_151] : memref<10000xi32, #tpu.memory_space<vmem>> -> memref<1000xi32, #tpu.memory_space<vmem>>
    %dma_wait3A_153 = arith.constant 0 : i32
    %dma_wait3A_154 = arith.constant 0 : i32
    %dma_wait3A_155 = tpu.memref_slice %arg3[%dma_wait3A_153, %dma_wait3A_154] : memref<10000x32xf32, #tpu.memory_space<hbm>> -> memref<10000x32xf32, #tpu.memory_space<hbm>>
    tpu.wait_indirect_dma semaphore(%arg9 : memref<!tpu.dma_semaphore, #tpu.memory_space<semaphore_mem>>) src(%dma_wait3A_155 : memref<10000x32xf32, #tpu.memory_space<hbm>>) dst(%arg7 : memref<1000x32xf32, #tpu.memory_space<vmem>>)
    %add3A_156 = arith.constant 7000 : i32
    %add3A_157 = arith.addi %mul3A_2, %add3A_156 : i32
    %dma_start3A_158 = arith.constant 0 : i32
    %dma_start3A_159 = tpu.memref_slice %arg4[%add3A_157, %dma_start3A_158] : memref<320000x32xf32, #tpu.memory_space<hbm>> -> memref<1000x32xf32, #tpu.memory_space<hbm>>
    %dma_start3A_160 = arith.constant 0 : i32
    %dma_start3A_161 = tpu.memref_slice %arg4[%add3A_157, %dma_start3A_160] : memref<320000x32xf32, #tpu.memory_space<hbm>> -> memref<1000x32xf32, #tpu.memory_space<hbm>>
    tpu.enqueue_dma source(%arg7 : memref<1000x32xf32, #tpu.memory_space<vmem>>) target(%dma_start3A_161 : memref<1000x32xf32, #tpu.memory_space<hbm>>) target_semaphore(%arg11 : memref<!tpu.dma_semaphore, #tpu.memory_space<semaphore_mem>>)
    %dma_wait3A_162 = arith.constant 0 : i32
    %dma_wait3A_163 = tpu.memref_slice %arg4[%add3A_157, %dma_wait3A_162] : memref<320000x32xf32, #tpu.memory_space<hbm>> -> memref<1000x32xf32, #tpu.memory_space<hbm>>
    %dma_wait3A_164 = arith.constant 0 : i32
    %dma_wait3A_165 = tpu.memref_slice %arg4[%add3A_157, %dma_wait3A_164] : memref<320000x32xf32, #tpu.memory_space<hbm>> -> memref<1000x32xf32, #tpu.memory_space<hbm>>
    tpu.wait_dma2 semaphore(%arg11 : memref<!tpu.dma_semaphore, #tpu.memory_space<semaphore_mem>>) src(%arg7 : memref<1000x32xf32, #tpu.memory_space<vmem>>) dst(%dma_wait3A_165 : memref<1000x32xf32, #tpu.memory_space<hbm>>)
    %dma_start3A_166 = arith.constant 9000 : i32
    %dma_start3A_167 = tpu.memref_slice %arg5[%dma_start3A_166] : memref<10000xi32, #tpu.memory_space<vmem>> -> memref<1000xi32, #tpu.memory_space<vmem>>
    %dma_start3A_168 = arith.constant 0 : i32
    %dma_start3A_169 = arith.constant 0 : i32
    %dma_start3A_170 = tpu.memref_slice %arg3[%dma_start3A_168, %dma_start3A_169] : memref<10000x32xf32, #tpu.memory_space<hbm>> -> memref<10000x32xf32, #tpu.memory_space<hbm>>
    tpu.enqueue_indirect_dma source(%dma_start3A_170 : memref<10000x32xf32, #tpu.memory_space<hbm>>) target(%arg7 : memref<1000x32xf32, #tpu.memory_space<vmem>>) offsets(%dma_start3A_167 : memref<1000xi32, #tpu.memory_space<vmem>>) semaphore(%arg9 : memref<!tpu.dma_semaphore, #tpu.memory_space<semaphore_mem>>)
    %dma_wait3A_171 = arith.constant 8000 : i32
    %dma_wait3A_172 = tpu.memref_slice %arg5[%dma_wait3A_171] : memref<10000xi32, #tpu.memory_space<vmem>> -> memref<1000xi32, #tpu.memory_space<vmem>>
    %dma_wait3A_173 = arith.constant 0 : i32
    %dma_wait3A_174 = arith.constant 0 : i32
    %dma_wait3A_175 = tpu.memref_slice %arg3[%dma_wait3A_173, %dma_wait3A_174] : memref<10000x32xf32, #tpu.memory_space<hbm>> -> memref<10000x32xf32, #tpu.memory_space<hbm>>
    tpu.wait_indirect_dma semaphore(%arg8 : memref<!tpu.dma_semaphore, #tpu.memory_space<semaphore_mem>>) src(%dma_wait3A_175 : memref<10000x32xf32, #tpu.memory_space<hbm>>) dst(%arg6 : memref<1000x32xf32, #tpu.memory_space<vmem>>)
    %add3A_176 = arith.constant 8000 : i32
    %add3A_177 = arith.addi %mul3A_2, %add3A_176 : i32
    %dma_start3A_178 = arith.constant 0 : i32
    %dma_start3A_179 = tpu.memref_slice %arg4[%add3A_177, %dma_start3A_178] : memref<320000x32xf32, #tpu.memory_space<hbm>> -> memref<1000x32xf32, #tpu.memory_space<hbm>>
    %dma_start3A_180 = arith.constant 0 : i32
    %dma_start3A_181 = tpu.memref_slice %arg4[%add3A_177, %dma_start3A_180] : memref<320000x32xf32, #tpu.memory_space<hbm>> -> memref<1000x32xf32, #tpu.memory_space<hbm>>
    tpu.enqueue_dma source(%arg6 : memref<1000x32xf32, #tpu.memory_space<vmem>>) target(%dma_start3A_181 : memref<1000x32xf32, #tpu.memory_space<hbm>>) target_semaphore(%arg10 : memref<!tpu.dma_semaphore, #tpu.memory_space<semaphore_mem>>)
    %dma_wait3A_182 = arith.constant 9000 : i32
    %dma_wait3A_183 = tpu.memref_slice %arg5[%dma_wait3A_182] : memref<10000xi32, #tpu.memory_space<vmem>> -> memref<1000xi32, #tpu.memory_space<vmem>>
    %dma_wait3A_184 = arith.constant 0 : i32
    %dma_wait3A_185 = arith.constant 0 : i32
    %dma_wait3A_186 = tpu.memref_slice %arg3[%dma_wait3A_184, %dma_wait3A_185] : memref<10000x32xf32, #tpu.memory_space<hbm>> -> memref<10000x32xf32, #tpu.memory_space<hbm>>
    tpu.wait_indirect_dma semaphore(%arg9 : memref<!tpu.dma_semaphore, #tpu.memory_space<semaphore_mem>>) src(%dma_wait3A_186 : memref<10000x32xf32, #tpu.memory_space<hbm>>) dst(%arg7 : memref<1000x32xf32, #tpu.memory_space<vmem>>)
    %add3A_187 = arith.constant 9000 : i32
    %add3A_188 = arith.addi %mul3A_2, %add3A_187 : i32
    %dma_start3A_189 = arith.constant 0 : i32
    %dma_start3A_190 = tpu.memref_slice %arg4[%add3A_188, %dma_start3A_189] : memref<320000x32xf32, #tpu.memory_space<hbm>> -> memref<1000x32xf32, #tpu.memory_space<hbm>>
    %dma_start3A_191 = arith.constant 0 : i32
    %dma_start3A_192 = tpu.memref_slice %arg4[%add3A_188, %dma_start3A_191] : memref<320000x32xf32, #tpu.memory_space<hbm>> -> memref<1000x32xf32, #tpu.memory_space<hbm>>
    tpu.enqueue_dma source(%arg7 : memref<1000x32xf32, #tpu.memory_space<vmem>>) target(%dma_start3A_192 : memref<1000x32xf32, #tpu.memory_space<hbm>>) target_semaphore(%arg11 : memref<!tpu.dma_semaphore, #tpu.memory_space<semaphore_mem>>)
    %dma_wait3A_193 = arith.constant 0 : i32
    %dma_wait3A_194 = tpu.memref_slice %arg4[%add3A_177, %dma_wait3A_193] : memref<320000x32xf32, #tpu.memory_space<hbm>> -> memref<1000x32xf32, #tpu.memory_space<hbm>>
    %dma_wait3A_195 = arith.constant 0 : i32
    %dma_wait3A_196 = tpu.memref_slice %arg4[%add3A_177, %dma_wait3A_195] : memref<320000x32xf32, #tpu.memory_space<hbm>> -> memref<1000x32xf32, #tpu.memory_space<hbm>>
    tpu.wait_dma2 semaphore(%arg10 : memref<!tpu.dma_semaphore, #tpu.memory_space<semaphore_mem>>) src(%arg6 : memref<1000x32xf32, #tpu.memory_space<vmem>>) dst(%dma_wait3A_196 : memref<1000x32xf32, #tpu.memory_space<hbm>>)
    %dma_wait3A_197 = arith.constant 0 : i32
    %dma_wait3A_198 = tpu.memref_slice %arg4[%add3A_188, %dma_wait3A_197] : memref<320000x32xf32, #tpu.memory_space<hbm>> -> memref<1000x32xf32, #tpu.memory_space<hbm>>
    %dma_wait3A_199 = arith.constant 0 : i32
    %dma_wait3A_200 = tpu.memref_slice %arg4[%add3A_188, %dma_wait3A_199] : memref<320000x32xf32, #tpu.memory_space<hbm>> -> memref<1000x32xf32, #tpu.memory_space<hbm>>
    tpu.wait_dma2 semaphore(%arg11 : memref<!tpu.dma_semaphore, #tpu.memory_space<semaphore_mem>>) src(%arg7 : memref<1000x32xf32, #tpu.memory_space<vmem>>) dst(%dma_wait3A_200 : memref<1000x32xf32, #tpu.memory_space<hbm>>)
    return
  }
}

module attributes {stable_mosaic.version = 14 : i64} {
  func.func @_mm_body(%arg0: i32, %arg1: memref<2000x128xf32, #tpu.memory_space<vmem>>, %arg2: memref<128x32xf32, #tpu.memory_space<vmem>>, %arg3: memref<2000x32xf32, #tpu.memory_space<vmem>>) attributes {dimension_semantics = [#tpu.dimension_semantics<arbitrary>], iteration_bounds = array<i64: 5>, scalar_prefetch = 0 : i64, scratch_operands = 0 : i64, tpu.core_type = #tpu.core_type<tc>, window_params = [{transform_indices = @transform_0, window_bounds = array<i64: 2000, 128>}, {pipeline_mode = #tpu.pipeline_mode<synchronous>, transform_indices = @transform_1, window_bounds = array<i64: 128, 32>}, {transform_indices = @transform_2, window_bounds = array<i64: 2000, 32>}]} {
    %get3A = arith.constant 0 : index
    %get3A_0 = arith.constant 0 : index
    %get3A_1 = vector.load %arg1[%get3A, %get3A_0] : memref<2000x128xf32, #tpu.memory_space<vmem>>, vector<2000x128xf32>
    %get3A_2 = arith.constant 0 : index
    %get3A_3 = arith.constant 0 : index
    %get3A_4 = vector.load %arg2[%get3A_2, %get3A_3] : memref<128x32xf32, #tpu.memory_space<vmem>>, vector<128x32xf32>
    %dot_general3A = arith.constant dense<0.000000e+00> : vector<2000x32xf32>
    %dot_general3A_5 = tpu.matmul %get3A_1, %get3A_4, %dot_general3A {dimension_numbers = #tpu.dot_dimension_numbers<[1], [0], [0], [1], [0, 0, 1, 1], [], []>, transpose_lhs_hint = false} : vector<2000x128xf32>, vector<128x32xf32>, vector<2000x32xf32> -> vector<2000x32xf32>
    %swap3A = arith.constant 0 : index
    %swap3A_6 = arith.constant 0 : index
    %swap3A_7 = vector.load %arg3[%swap3A, %swap3A_6] : memref<2000x32xf32, #tpu.memory_space<vmem>>, vector<2000x32xf32>
    tpu.vector_store %arg3[%swap3A, %swap3A_6], %dot_general3A_5 {strides = array<i32>} : memref<2000x32xf32, #tpu.memory_space<vmem>>, vector<2000x32xf32>,
    return
  }
  func.func @transform_0(%arg0: i32) -> (i32, i32) {
    %c0_i32 = arith.constant 0 : i32
    %c0_i32_0 = arith.constant 0 : i32
    return %arg0, %c0_i32 : i32, i32
  }
  func.func @transform_1(%arg0: i32) -> (i32, i32) {
    %c0_i32 = arith.constant 0 : i32
    %c0_i32_0 = arith.constant 0 : i32
    %c0_i32_1 = arith.constant 0 : i32
    return %c0_i32, %c0_i32_0 : i32, i32
  }
  func.func @transform_2(%arg0: i32) -> (i32, i32) {
    %c0_i32 = arith.constant 0 : i32
    %c0_i32_0 = arith.constant 0 : i32
    return %arg0, %c0_i32 : i32, i32
  }
}

module attributes {stable_mosaic.version = 14 : i64} {
  func.func @_agg_body(%arg0: i32, %arg1: memref<400x1024xf32, #tpu.memory_space<vmem>>, %arg2: memref<400x128xf32, #tpu.memory_space<vmem>>, %arg3: memref<128x32xf32, #tpu.memory_space<vmem>>, %arg4: memref<32x1024xf32, #tpu.memory_space<vmem>>, %arg5: memref<1x1024xf32, #tpu.memory_space<vmem>>, %arg6: memref<1024x512xf32, #tpu.memory_space<vmem>>, %arg7: memref<1x512xf32, #tpu.memory_space<vmem>>, %arg8: memref<512x128xf32, #tpu.memory_space<vmem>>, %arg9: memref<1x128xf32, #tpu.memory_space<vmem>>, %arg10: memref<32x512xf32, #tpu.memory_space<vmem>>, %arg11: memref<128x128xf32, #tpu.memory_space<vmem>>, %arg12: memref<512x16xf32, #tpu.memory_space<vmem>>, %arg13: memref<400x64xf32, #tpu.memory_space<vmem>>) attributes {dimension_semantics = [#tpu.dimension_semantics<arbitrary>], iteration_bounds = array<i64: 25>, scalar_prefetch = 0 : i64, scratch_operands = 0 : i64, tpu.core_type = #tpu.core_type<tc>, window_params = [{transform_indices = @transform_0, window_bounds = array<i64: 400, 1024>}, {transform_indices = @transform_1, window_bounds = array<i64: 400, 128>}, {pipeline_mode = #tpu.pipeline_mode<synchronous>, transform_indices = @transform_2, window_bounds = array<i64: 128, 32>}, {pipeline_mode = #tpu.pipeline_mode<synchronous>, transform_indices = @transform_3, window_bounds = array<i64: 32, 1024>}, {pipeline_mode = #tpu.pipeline_mode<synchronous>, transform_indices = @transform_4, window_bounds = array<i64: 1, 1024>}, {pipeline_mode = #tpu.pipeline_mode<synchronous>, transform_indices = @transform_5, window_bounds = array<i64: 1024, 512>}, {pipeline_mode = #tpu.pipeline_mode<synchronous>, transform_indices = @transform_6, window_bounds = array<i64: 1, 512>}, {pipeline_mode = #tpu.pipeline_mode<synchronous>, transform_indices = @transform_7, window_bounds = array<i64: 512, 128>}, {pipeline_mode = #tpu.pipeline_mode<synchronous>, transform_indices = @transform_8, window_bounds = array<i64: 1, 128>}, {pipeline_mode = #tpu.pipeline_mode<synchronous>, transform_indices = @transform_9, window_bounds = array<i64: 32, 512>}, {pipeline_mode = #tpu.pipeline_mode<synchronous>, transform_indices = @transform_10, window_bounds = array<i64: 128, 128>}, {pipeline_mode = #tpu.pipeline_mode<synchronous>, transform_indices = @transform_11, window_bounds = array<i64: 512, 16>}, {transform_indices = @transform_12, window_bounds = array<i64: 400, 64>}]} {
    %get3A = arith.constant 0 : index
    %get3A_0 = arith.constant 0 : index
    %get3A_1 = vector.load %arg2[%get3A, %get3A_0] : memref<400x128xf32, #tpu.memory_space<vmem>>, vector<400x128xf32>
    %get3A_2 = arith.constant 0 : index
    %get3A_3 = arith.constant 0 : index
    %get3A_4 = vector.load %arg3[%get3A_2, %get3A_3] : memref<128x32xf32, #tpu.memory_space<vmem>>, vector<128x32xf32>
    %dot_general3A = arith.constant dense<0.000000e+00> : vector<400x32xf32>
    %dot_general3A_5 = tpu.matmul %get3A_1, %get3A_4, %dot_general3A {dimension_numbers = #tpu.dot_dimension_numbers<[1], [0], [0], [1], [0, 0, 1, 1], [], []>, transpose_lhs_hint = false} : vector<400x128xf32>, vector<128x32xf32>, vector<400x32xf32> -> vector<400x32xf32>
    %get3A_6 = arith.constant 0 : index
    %get3A_7 = arith.constant 0 : index
    %get3A_8 = vector.load %arg4[%get3A_6, %get3A_7] : memref<32x1024xf32, #tpu.memory_space<vmem>>, vector<32x1024xf32>
    %dot_general3A_9 = arith.constant dense<0.000000e+00> : vector<400x1024xf32>
    %dot_general3A_10 = tpu.matmul %dot_general3A_5, %get3A_8, %dot_general3A_9 {dimension_numbers = #tpu.dot_dimension_numbers<[1], [0], [0], [1], [0, 0, 1, 1], [], []>, transpose_lhs_hint = false} : vector<400x32xf32>, vector<32x1024xf32>, vector<400x1024xf32> -> vector<400x1024xf32>
    %get3A_11 = arith.constant 0 : index
    %get3A_12 = arith.constant 0 : index
    %get3A_13 = vector.load %arg1[%get3A_11, %get3A_12] : memref<400x1024xf32, #tpu.memory_space<vmem>>, vector<400x1024xf32>
    %add3A = arith.addf %get3A_13, %dot_general3A_10 : vector<400x1024xf32>
    %get3A_14 = arith.constant 0 : index
    %get3A_15 = arith.constant 0 : index
    %get3A_16 = vector.load %arg5[%get3A_14, %get3A_15] : memref<1x1024xf32, #tpu.memory_space<vmem>>, vector<1x1024xf32>
    %add3A_17 = vector.broadcast %get3A_16 : vector<1x1024xf32> to vector<400x1024xf32>
    %add3A_18 = arith.addf %add3A, %add3A_17 : vector<400x1024xf32>
    %max3A = arith.constant 0.000000e+00 : f32
    %max3A_19 = vector.broadcast %max3A : f32 to vector<400x1024xf32>
    %max3A_20 = arith.maximumf %add3A_18, %max3A_19 : vector<400x1024xf32>
    %get3A_21 = arith.constant 0 : index
    %get3A_22 = arith.constant 0 : index
    %get3A_23 = vector.load %arg6[%get3A_21, %get3A_22] : memref<1024x512xf32, #tpu.memory_space<vmem>>, vector<1024x512xf32>
    %dot_general3A_24 = arith.constant dense<0.000000e+00> : vector<400x512xf32>
    %dot_general3A_25 = tpu.matmul %max3A_20, %get3A_23, %dot_general3A_24 {dimension_numbers = #tpu.dot_dimension_numbers<[1], [0], [0], [1], [0, 0, 1, 1], [], []>, transpose_lhs_hint = false} : vector<400x1024xf32>, vector<1024x512xf32>, vector<400x512xf32> -> vector<400x512xf32>
    %get3A_26 = arith.constant 0 : index
    %get3A_27 = arith.constant 0 : index
    %get3A_28 = vector.load %arg7[%get3A_26, %get3A_27] : memref<1x512xf32, #tpu.memory_space<vmem>>, vector<1x512xf32>
    %add3A_29 = vector.broadcast %get3A_28 : vector<1x512xf32> to vector<400x512xf32>
    %add3A_30 = arith.addf %dot_general3A_25, %add3A_29 : vector<400x512xf32>
    %max3A_31 = arith.constant 0.000000e+00 : f32
    %max3A_32 = vector.broadcast %max3A_31 : f32 to vector<400x512xf32>
    %max3A_33 = arith.maximumf %add3A_30, %max3A_32 : vector<400x512xf32>
    %get3A_34 = arith.constant 0 : index
    %get3A_35 = arith.constant 0 : index
    %get3A_36 = vector.load %arg8[%get3A_34, %get3A_35] : memref<512x128xf32, #tpu.memory_space<vmem>>, vector<512x128xf32>
    %dot_general3A_37 = arith.constant dense<0.000000e+00> : vector<400x128xf32>
    %dot_general3A_38 = tpu.matmul %max3A_33, %get3A_36, %dot_general3A_37 {dimension_numbers = #tpu.dot_dimension_numbers<[1], [0], [0], [1], [0, 0, 1, 1], [], []>, transpose_lhs_hint = false} : vector<400x512xf32>, vector<512x128xf32>, vector<400x128xf32> -> vector<400x128xf32>
    %get3A_39 = arith.constant 0 : index
    %get3A_40 = arith.constant 0 : index
    %get3A_41 = vector.load %arg9[%get3A_39, %get3A_40] : memref<1x128xf32, #tpu.memory_space<vmem>>, vector<1x128xf32>
    %add3A_42 = vector.broadcast %get3A_41 : vector<1x128xf32> to vector<400x128xf32>
    %add3A_43 = arith.addf %dot_general3A_38, %add3A_42 : vector<400x128xf32>
    %max3A_44 = arith.constant 0.000000e+00 : f32
    %max3A_45 = vector.broadcast %max3A_44 : f32 to vector<400x128xf32>
    %max3A_46 = arith.maximumf %add3A_43, %max3A_45 : vector<400x128xf32>
    %exp3A = math.exp %max3A_46 : vector<400x128xf32>
    %get3A_47 = arith.constant 0 : index
    %get3A_48 = arith.constant 0 : index
    %get3A_49 = vector.load %arg11[%get3A_47, %get3A_48] : memref<128x128xf32, #tpu.memory_space<vmem>>, vector<128x128xf32>
    %dot_general3A_50 = arith.constant dense<0.000000e+00> : vector<400x128xf32>
    %dot_general3A_51 = tpu.matmul %exp3A, %get3A_49, %dot_general3A_50 {dimension_numbers = #tpu.dot_dimension_numbers<[1], [0], [0], [1], [0, 0, 1, 1], [], []>, transpose_lhs_hint = false} : vector<400x128xf32>, vector<128x128xf32>, vector<400x128xf32> -> vector<400x128xf32>
    %div3A = arith.divf %exp3A, %dot_general3A_51 : vector<400x128xf32>
    %slice3A = vector.extract_strided_slice %div3A {offsets = [0, 0], sizes = [400, 32], strides = [1, 1]} : vector<400x128xf32> to vector<400x32xf32>
    %get3A_52 = arith.constant 0 : index
    %get3A_53 = arith.constant 0 : index
    %get3A_54 = vector.load %arg10[%get3A_52, %get3A_53] : memref<32x512xf32, #tpu.memory_space<vmem>>, vector<32x512xf32>
    %dot_general3A_55 = arith.constant dense<0.000000e+00> : vector<400x512xf32>
    %dot_general3A_56 = tpu.matmul %slice3A, %get3A_54, %dot_general3A_55 {dimension_numbers = #tpu.dot_dimension_numbers<[1], [0], [0], [1], [0, 0, 1, 1], [], []>, transpose_lhs_hint = false} : vector<400x32xf32>, vector<32x512xf32>, vector<400x512xf32> -> vector<400x512xf32>
    %mul3A = arith.mulf %dot_general3A_56, %max3A_33 : vector<400x512xf32>
    %get3A_57 = arith.constant 0 : index
    %get3A_58 = arith.constant 0 : index
    %get3A_59 = vector.load %arg12[%get3A_57, %get3A_58] : memref<512x16xf32, #tpu.memory_space<vmem>>, vector<512x16xf32>
    %dot_general3A_60 = arith.constant dense<0.000000e+00> : vector<400x16xf32>
    %dot_general3A_61 = tpu.matmul %mul3A, %get3A_59, %dot_general3A_60 {dimension_numbers = #tpu.dot_dimension_numbers<[1], [0], [0], [1], [0, 0, 1, 1], [], []>, transpose_lhs_hint = false} : vector<400x512xf32>, vector<512x16xf32>, vector<400x16xf32> -> vector<400x16xf32>
    %slice3A_62 = vector.extract_strided_slice %div3A {offsets = [0, 32], sizes = [400, 32], strides = [1, 1]} : vector<400x128xf32> to vector<400x32xf32>
    %get3A_63 = arith.constant 0 : index
    %get3A_64 = arith.constant 0 : index
    %get3A_65 = vector.load %arg10[%get3A_63, %get3A_64] : memref<32x512xf32, #tpu.memory_space<vmem>>, vector<32x512xf32>
    %dot_general3A_66 = arith.constant dense<0.000000e+00> : vector<400x512xf32>
    %dot_general3A_67 = tpu.matmul %slice3A_62, %get3A_65, %dot_general3A_66 {dimension_numbers = #tpu.dot_dimension_numbers<[1], [0], [0], [1], [0, 0, 1, 1], [], []>, transpose_lhs_hint = false} : vector<400x32xf32>, vector<32x512xf32>, vector<400x512xf32> -> vector<400x512xf32>
    %mul3A_68 = arith.mulf %dot_general3A_67, %max3A_33 : vector<400x512xf32>
    %get3A_69 = arith.constant 0 : index
    %get3A_70 = arith.constant 0 : index
    %get3A_71 = vector.load %arg12[%get3A_69, %get3A_70] : memref<512x16xf32, #tpu.memory_space<vmem>>, vector<512x16xf32>
    %dot_general3A_72 = arith.constant dense<0.000000e+00> : vector<400x16xf32>
    %dot_general3A_73 = tpu.matmul %mul3A_68, %get3A_71, %dot_general3A_72 {dimension_numbers = #tpu.dot_dimension_numbers<[1], [0], [0], [1], [0, 0, 1, 1], [], []>, transpose_lhs_hint = false} : vector<400x512xf32>, vector<512x16xf32>, vector<400x16xf32> -> vector<400x16xf32>
    %slice3A_74 = vector.extract_strided_slice %div3A {offsets = [0, 64], sizes = [400, 32], strides = [1, 1]} : vector<400x128xf32> to vector<400x32xf32>
    %get3A_75 = arith.constant 0 : index
    %get3A_76 = arith.constant 0 : index
    %get3A_77 = vector.load %arg10[%get3A_75, %get3A_76] : memref<32x512xf32, #tpu.memory_space<vmem>>, vector<32x512xf32>
    %dot_general3A_78 = arith.constant dense<0.000000e+00> : vector<400x512xf32>
    %dot_general3A_79 = tpu.matmul %slice3A_74, %get3A_77, %dot_general3A_78 {dimension_numbers = #tpu.dot_dimension_numbers<[1], [0], [0], [1], [0, 0, 1, 1], [], []>, transpose_lhs_hint = false} : vector<400x32xf32>, vector<32x512xf32>, vector<400x512xf32> -> vector<400x512xf32>
    %mul3A_80 = arith.mulf %dot_general3A_79, %max3A_33 : vector<400x512xf32>
    %get3A_81 = arith.constant 0 : index
    %get3A_82 = arith.constant 0 : index
    %get3A_83 = vector.load %arg12[%get3A_81, %get3A_82] : memref<512x16xf32, #tpu.memory_space<vmem>>, vector<512x16xf32>
    %dot_general3A_84 = arith.constant dense<0.000000e+00> : vector<400x16xf32>
    %dot_general3A_85 = tpu.matmul %mul3A_80, %get3A_83, %dot_general3A_84 {dimension_numbers = #tpu.dot_dimension_numbers<[1], [0], [0], [1], [0, 0, 1, 1], [], []>, transpose_lhs_hint = false} : vector<400x512xf32>, vector<512x16xf32>, vector<400x16xf32> -> vector<400x16xf32>
    %slice3A_86 = vector.extract_strided_slice %div3A {offsets = [0, 96], sizes = [400, 32], strides = [1, 1]} : vector<400x128xf32> to vector<400x32xf32>
    %get3A_87 = arith.constant 0 : index
    %get3A_88 = arith.constant 0 : index
    %get3A_89 = vector.load %arg10[%get3A_87, %get3A_88] : memref<32x512xf32, #tpu.memory_space<vmem>>, vector<32x512xf32>
    %dot_general3A_90 = arith.constant dense<0.000000e+00> : vector<400x512xf32>
    %dot_general3A_91 = tpu.matmul %slice3A_86, %get3A_89, %dot_general3A_90 {dimension_numbers = #tpu.dot_dimension_numbers<[1], [0], [0], [1], [0, 0, 1, 1], [], []>, transpose_lhs_hint = false} : vector<400x32xf32>, vector<32x512xf32>, vector<400x512xf32> -> vector<400x512xf32>
    %mul3A_92 = arith.mulf %dot_general3A_91, %max3A_33 : vector<400x512xf32>
    %get3A_93 = arith.constant 0 : index
    %get3A_94 = arith.constant 0 : index
    %get3A_95 = vector.load %arg12[%get3A_93, %get3A_94] : memref<512x16xf32, #tpu.memory_space<vmem>>, vector<512x16xf32>
    %dot_general3A_96 = arith.constant dense<0.000000e+00> : vector<400x16xf32>
    %dot_general3A_97 = tpu.matmul %mul3A_92, %get3A_95, %dot_general3A_96 {dimension_numbers = #tpu.dot_dimension_numbers<[1], [0], [0], [1], [0, 0, 1, 1], [], []>, transpose_lhs_hint = false} : vector<400x512xf32>, vector<512x16xf32>, vector<400x16xf32> -> vector<400x16xf32>
    %concatenate3A = tpu.concatenate %dot_general3A_61, %dot_general3A_73, %dot_general3A_85, %dot_general3A_97 in 1 : vector<400x16xf32>, vector<400x16xf32>, vector<400x16xf32>, vector<400x16xf32> -> vector<400x64xf32>
    %swap3A = arith.constant 0 : index
    %swap3A_98 = arith.constant 0 : index
    %swap3A_99 = vector.load %arg13[%swap3A, %swap3A_98] : memref<400x64xf32, #tpu.memory_space<vmem>>, vector<400x64xf32>
    tpu.vector_store %arg13[%swap3A, %swap3A_98], %concatenate3A {strides = array<i32>} : memref<400x64xf32, #tpu.memory_space<vmem>>, vector<400x64xf32>,
    return
  }
  func.func @transform_0(%arg0: i32) -> (i32, i32) {
    %c0_i32 = arith.constant 0 : i32
    %c0_i32_0 = arith.constant 0 : i32
    return %arg0, %c0_i32 : i32, i32
  }
  func.func @transform_1(%arg0: i32) -> (i32, i32) {
    %c0_i32 = arith.constant 0 : i32
    %c0_i32_0 = arith.constant 0 : i32
    return %arg0, %c0_i32 : i32, i32
  }
  func.func @transform_2(%arg0: i32) -> (i32, i32) {
    %c0_i32 = arith.constant 0 : i32
    %c0_i32_0 = arith.constant 0 : i32
    %c0_i32_1 = arith.constant 0 : i32
    return %c0_i32, %c0_i32_0 : i32, i32
  }
  func.func @transform_3(%arg0: i32) -> (i32, i32) {
    %c0_i32 = arith.constant 0 : i32
    %c0_i32_0 = arith.constant 0 : i32
    %c0_i32_1 = arith.constant 0 : i32
    return %c0_i32, %c0_i32_0 : i32, i32
  }
  func.func @transform_4(%arg0: i32) -> (i32, i32) {
    %c0_i32 = arith.constant 0 : i32
    %c0_i32_0 = arith.constant 0 : i32
    %c0_i32_1 = arith.constant 0 : i32
    return %c0_i32, %c0_i32_0 : i32, i32
  }
  func.func @transform_5(%arg0: i32) -> (i32, i32) {
    %c0_i32 = arith.constant 0 : i32
    %c0_i32_0 = arith.constant 0 : i32
    %c0_i32_1 = arith.constant 0 : i32
    return %c0_i32, %c0_i32_0 : i32, i32
  }
  func.func @transform_6(%arg0: i32) -> (i32, i32) {
    %c0_i32 = arith.constant 0 : i32
    %c0_i32_0 = arith.constant 0 : i32
    %c0_i32_1 = arith.constant 0 : i32
    return %c0_i32, %c0_i32_0 : i32, i32
  }
  func.func @transform_7(%arg0: i32) -> (i32, i32) {
    %c0_i32 = arith.constant 0 : i32
    %c0_i32_0 = arith.constant 0 : i32
    %c0_i32_1 = arith.constant 0 : i32
    return %c0_i32, %c0_i32_0 : i32, i32
  }
  func.func @transform_8(%arg0: i32) -> (i32, i32) {
    %c0_i32 = arith.constant 0 : i32
    %c0_i32_0 = arith.constant 0 : i32
    %c0_i32_1 = arith.constant 0 : i32
    return %c0_i32, %c0_i32_0 : i32, i32
  }
  func.func @transform_9(%arg0: i32) -> (i32, i32) {
    %c0_i32 = arith.constant 0 : i32
    %c0_i32_0 = arith.constant 0 : i32
    %c0_i32_1 = arith.constant 0 : i32
    return %c0_i32, %c0_i32_0 : i32, i32
  }
  func.func @transform_10(%arg0: i32) -> (i32, i32) {
    %c0_i32 = arith.constant 0 : i32
    %c0_i32_0 = arith.constant 0 : i32
    %c0_i32_1 = arith.constant 0 : i32
    return %c0_i32, %c0_i32_0 : i32, i32
  }
  func.func @transform_11(%arg0: i32) -> (i32, i32) {
    %c0_i32 = arith.constant 0 : i32
    %c0_i32_0 = arith.constant 0 : i32
    %c0_i32_1 = arith.constant 0 : i32
    return %c0_i32, %c0_i32_0 : i32, i32
  }
  func.func @transform_12(%arg0: i32) -> (i32, i32) {
    %c0_i32 = arith.constant 0 : i32
    %c0_i32_0 = arith.constant 0 : i32
    return %arg0, %c0_i32 : i32, i32
  }
}

</mosaic_0001>

<sc_bundles>
// kernel: kernel.5.cloned.1.call-start
scs
__scs_entry_jumppad:
0x0: {  	(pc) =	sbr.rel $0x88, $3  }
0x1: {  	(tag) =	ssettag $0x0;
	lr =	simm.s32 $0x1  }
0x2: {  	[smem:$0x3F99] =	sst lr;
	_ =	strace $0xD0000000  }
0x3: {  	_ = 	snop  }
0x4: {  	_ = 	snop  }
0x5: {  	_ = 	snop  }
0x6: {  	_ = 	snop  }
0x7: {  	_ = 	snop  }
__scs_overlays_trampoline_lowered:
0x8: {  	[smem:$0x3FA8] =	sst s0  }
0x9: {  	[smem:$0x3FA9] =	sst s1  }
0xa: {  	[smem:$0x3FAA] =	sst s2  }
0xb: {  	[smem:$0x3FAB] =	sst s3  }
0xc: {  	[smem:$0x3FAC] =	sst s4  }
0xd: {  	[smem:$0x3FAD] =	sst s5  }
0xe: {  	[smem:$0x3FAE] =	sst s6  }
0xf: {  	[smem:$0x3FAF] =	sst s7  }
0x10: {  	[smem:$0x3FB0] =	sst s8  }
0x11: {  	[smem:$0x3FB1] =	sst s9;
	s0 =	simm.s32 @!p0 $0x0  }
0x12: {  	s1 =	sld [smem:$0x3F97];
	s0 =	simm.s32 @p0 $0x1  }
0x13: {  	[smem:$0x3FB2] =	sst s0;
	s0 =	simm.s32 @!p1 $0x0  }
0x14: {  	s2 =	sld [smem:$0x3F96];
	s0 =	simm.s32 @p1 $0x1  }
0x15: {  	[smem:$0x3FB3] =	sst s0;
	s0 =	simm.s32 @!p2 $0x0  }
0x16: {  	s3 =	sld [smem:$0x3FDB];
	s0 =	simm.s32 @p2 $0x1  }
0x17: {  	s4 =	simm.s32 $0x1BF5;
	[smem:$0x3FB5] =	sst s0  }
0x18: {  	s0 =	sld [smem:$0x3F98];
	_ =	swait.ge [sflag:s4], $0x0  }
0x19: {  	s7 =	sld [smem:$0x3F99]  }
0x1a: {  	s8 =	sadd.s32 $0xFFFFE003, lr  }
0x1b: {  	s9 =	sadd.s32 $0xFFFFFEF7, lr;
	s5 =	simm.s32 $0xFFFFFFFF;
	p2 =	slt.u32 s8, $0xFFFFF086  }
0x1c: {  	p1 =	slt.u32 s9, $0xF7A;
	s5 =	simm.s32 @!p2 $0x0  }
0x1d: {  	s5 =	simm.s32 @p1 $0x1;
	p0 =	seq.s32 s7, s2  }
0x1e: {  	s7 =	smul.u32 @!p0 $0xF7A, s2;
	p2 =	seq.s32 @!p0 s5, $0x0  }
0x1f: {  	s9 =	smul.u32 $0xF7A, s1;
	s8 =	simm.s32 @!p0 $0x1BF5;
	p2 =	por !p2, p0  }
0x20: {  	[sflag:s8] =	ssyncset.s32 @!p0 $0xFFFFF086;
	s6 =	sadd.s32 @!p0 s3, s7;
	s7 =	simm.s32 @!p0 $0x108  }
0x21: {  	s3 =	sadd.s32 s3, s9;
	s6 =	sadd.s32 @!p0 $0x88, s6;
	s7 =	simm.s32 @p2 $0x1082  }
0x22: {  	[simem:s7], [sflag:s8] =	dma.local @!p0 [hbm:s6], $0xF7A  }
0x23: {  	s9 =	sor.u32 $0xD0000000, s2;
	s6 =	simm.s32 $0x108;
	_ =	swait.ge @!p0 [sflag:s8], $0x0  }
0x24: {  	s3 =	sadd.s32 $0x88, s3;
	s6 =	simm.s32 @!p1 $0x1082;
	[sflag:s4] =	ssyncset.s32 $0xFFFFF086  }
0x25: {  	[simem:s6], [sflag:s4] =	dma.local [hbm:s3], $0xF7A  }
0x26: {  	[smem:$0x3F99] =	sst s1;
	(tag) =	ssettag s2;
	_ =	strace s9  }
0x27: {  	s1 =	sld [smem:$0x3FA9]  }
0x28: {  	s2 =	sld [smem:$0x3FAA]  }
0x29: {  	s4 =	sld [smem:$0x3FAC]  }
0x2a: {  	p0 =	seq.s32 s5, $0x0;
	s5 =	sld [smem:$0x3FAD]  }
0x2b: {  	s6 =	sld [smem:$0x3FAE]  }
0x2c: {  	s7 =	sld [smem:$0x3FAF]  }
0x2d: {  	s3 =	simm.s32 $0x108;
	s8 =	sld [smem:$0x3FB0]  }
0x2e: {  	s3 =	simm.s32 @!p0 $0x1082;
	s9 =	sld [smem:$0x3FB1]  }
0x2f: {  	lr =	sadd.s32 s0, s3;
	s0 =	sld [smem:$0x3FA8]  }
0x30: {  	s3 =	sld [smem:$0x3FAB]  }
0x31: {  	[smem:$0x3FB4] =	sst s10  }
0x32: {  	s10 =	sld [smem:$0x3FB2];
	_ =	sdelay $0x3  }
0x33: {  	p0 =	seq.s32 s10, $0x1;
	s10 =	sld [smem:$0x3FB4];
	_ =	sdelay $0x3  }
0x34: {  	[smem:$0x3FB4] =	sst s10  }
0x35: {  	s10 =	sld [smem:$0x3FB3];
	_ =	sdelay $0x3  }
0x36: {  	p1 =	seq.s32 s10, $0x1;
	s10 =	sld [smem:$0x3FB4];
	_ =	sdelay $0x3  }
0x37: {  	[smem:$0x3FB4] =	sst s10  }
0x38: {  	s10 =	sld [smem:$0x3FB5]  }
0x39: {  	_ = 	snop;
	(pc) =	sbr.ind lr, $3  }
0x3a: {  	_ = 	snop  }
0x3b: {  	_ = 	snop  }
0x3c: {  	p2 =	seq.s32 s10, $0x1;
	s10 =	sld [smem:$0x3FB4]  }
0x3d: {  	_ =	shalt  }
0x3e: {  	_ =	shalt  }
0x3f: {  	_ =	shalt  }
0x40: {  	_ =	shalt  }
0x41: {  	_ =	shalt  }
0x42: {  	_ =	shalt  }
0x43: {  	_ =	shalt  }
0x44: {  	_ =	shalt  }
0x45: {  	_ =	shalt  }
0x46: {  	_ =	shalt  }
0x47: {  	_ =	shalt  }
0x48: {  	_ =	shalt  }
0x49: {  	_ =	shalt  }
0x4a: {  	_ =	shalt  }
0x4b: {  	_ =	shalt  }
0x4c: {  	_ =	shalt  }
0x4d: {  	_ =	shalt  }
0x4e: {  	_ =	shalt  }
0x4f: {  	_ =	shalt  }
0x50: {  	_ =	shalt  }
0x51: {  	_ =	shalt  }
0x52: {  	_ =	shalt  }
0x53: {  	_ =	shalt  }
0x54: {  	_ =	shalt  }
0x55: {  	_ =	shalt  }
0x56: {  	_ =	shalt  }
0x57: {  	_ =	shalt  }
0x58: {  	_ =	shalt  }
0x59: {  	_ =	shalt  }
0x5a: {  	_ =	shalt  }
0x5b: {  	_ =	shalt  }
0x5c: {  	_ =	shalt  }
0x5d: {  	_ =	shalt  }
0x5e: {  	_ =	shalt  }
0x5f: {  	_ =	shalt  }
0x60: {  	_ =	shalt  }
0x61: {  	_ =	shalt  }
0x62: {  	_ =	shalt  }
0x63: {  	_ =	shalt  }
0x64: {  	_ =	shalt  }
0x65: {  	_ =	shalt  }
0x66: {  	_ =	shalt  }
0x67: {  	_ =	shalt  }
0x68: {  	_ =	shalt  }
0x69: {  	_ =	shalt  }
0x6a: {  	_ =	shalt  }
0x6b: {  	_ =	shalt  }
0x6c: {  	_ =	shalt  }
0x6d: {  	_ =	shalt  }
0x6e: {  	_ =	shalt  }
0x6f: {  	_ =	shalt  }
0x70: {  	_ =	shalt  }
0x71: {  	_ =	shalt  }
0x72: {  	_ =	shalt  }
0x73: {  	_ =	shalt  }
0x74: {  	_ =	shalt  }
0x75: {  	_ =	shalt  }
0x76: {  	_ =	shalt  }
0x77: {  	_ =	shalt  }
0x78: {  	_ =	shalt  }
0x79: {  	_ =	shalt  }
0x7a: {  	_ =	shalt  }
0x7b: {  	_ =	shalt  }
0x7c: {  	_ =	shalt  }
0x7d: {  	_ =	shalt  }
0x7e: {  	_ =	shalt  }
0x7f: {  	_ =	shalt  }
0x80: {  	_ =	shalt  }
0x81: {  	_ =	shalt  }
0x82: {  	_ =	shalt  }
0x83: {  	_ =	shalt  }
0x84: {  	_ =	shalt  }
0x85: {  	_ =	shalt  }
0x86: {  	_ =	shalt  }
0x87: {  	_ =	shalt  }
.Lfunc_end0:
.L_simem_size_0:
called_computation_lowered:
.L_overlay_start_0:
0x88: {  	s2 =	sld [smem:$0x3FD9]  }
0x89: {  	s3 =	sld [smem:$0x3FFE];
	_ =	sdelay $0x1  }
0x8a: {  	s1 =	srdreg.scid  }
0x8b: {  	s0 =	sand.u32 $0x1, s1  }
0x8c: {  	s17 =	sshll.u32 s0, $0xA;
	s2 =	sadd.s32 s3, s2  }
0x8d: {  	s2 =	sadd.s32 s2, s17  }
0x8e: {  	[smem:$0x3FC0] =	sst s2  }
0x8f: {  	_ = 	snop  }
0x90: {  	s2 =	sld [smem:$0x3FD0];
	(tm) =	ssettm $0x1  }
0x91: {  	s18 =	sld [smem:$0x3FFB];
	_ =	sdelay $0x3  }
0x92: {  	_ =	strace s18  }
0x93: {  	s3 =	sld [smem:$0x3FFC];
	_ =	sdelay $0x3  }
0x94: {  	_ =	strace s3  }
0x95: {  	s3 =	sld [smem:$0x3FFD];
	_ =	sdelay $0x3  }
0x96: {  	_ =	strace s3  }
0x97: {  	_ =	strace $0x8FFFFFFF  }
0x98: {  	s19 =	sld [smem:$0x3FDB];
	_ =	sdelay $0x1  }
0x99: {  	s4 =	simm.s32 $_scs_section_size  }
0x9a: {  	s5 =	simm.s32 $_size__tile_overlayer_lowered;
	s6 =	simm.s32 $_tile_overlayer_lowered  }
0x9b: {  	s22 =	simm.s32 $0x1BFF;
	s21 =	sshll.u32 s6, $0x1;
	s3 =	sadd.s32 s4, s19  }
0x9c: {  	s7 =	simm.s32 $0x0;
	s20 =	sshll.u32 s5, $0x1;
	s5 =	sadd.s32 s21, s3  }
0x9d: {  	[timem:s7], [sflag:s22] =	dma.local [hbm:s5], s20  }
0x9e: {  	_ =	swait.ge [sflag:s22], s20  }
0x9f: {  	s4 =	ssub.s32 $0x0, s20;
	[sflag:s22] =	ssyncset.done $0x0  }
0xa0: {  	[sflag:s22] =	ssyncadd.s32 s4;
	_ =	sdelay $0x1  }
0xa1: {  	s23 =	simm.s32 $0x1B8B  }
0xa2: {  	_ =	swait.ge [sflag:s23], $0x1  }
0xa3: {  	[sflag:s23] =	ssyncset.done $0x0  }
0xa4: {  	s25 =	simm.s32 $0x1B8E;
	s24 =	sld [smem:$0x3FFE];
	[sflag:s23] =	ssyncadd.s32 $0xFFFFFFFF  }
0xa5: {  	s26 =	simm.s32 $execute0_lowered;
	[smem:$0x3FD2] =	sst s25  }
0xa6: {  	s5 =	sshll.u32 s26, $0x1;
	_ =	strace $0x80000046;
	[dreg:$0x1] =	wrdreg $0xFFFFFFFF  }
0xa7: {  	s28 =	simm.s32 $_size_execute0_lowered;
	s3 =	sadd.s32 s3, s5;
	[dreg:$0x0] =	wrdreg $0x0  }
0xa8: {  	s5 =	sshll.u32 s28, $0x1;
	[dreg:$0x2] =	wrdreg s3  }
0xa9: {  	[dreg:$0x3] =	wrdreg s5  }
0xaa: {  	[dreg:$0x4] =	wrdreg $0xC0  }
0xab: {  	_ =	task [dreg:s7], $0x5FFFF  }
0xac: {  	[dreg:$0x1] =	wrdreg $0xFFFFFFFF  }
0xad: {  	[dreg:$0x0] =	wrdreg $0x60  }
0xae: {  	[dreg:$0x2] =	wrdreg s2  }
0xaf: {  	[dreg:$0x3] =	wrdreg s24  }
0xb0: {  	[dreg:$0x4] =	wrdreg $0x9  }
0xb1: {  	_ =	task.clear_ibuf [dreg:s7], $0x5FFFF;
	_ =	strace $0x90000046  }
0xb2: {  	s29 =	simm.s32 $0x9;
	_ =	strace $0x80000048  }
0xb3: {  	_ =	swait.ge [sflag:s29], $0x1  }
0xb4: {  	[sflag:s29] =	ssyncadd.s32 $0xFFFFFFFF  }
0xb5: {  	_ =	strace $0x90000048  }
0xb6: {  	_ =	sfence  }
0xb7: {  	s30 =	sld [smem:$0x0];
	_ =	sdelay $0x2  }
0xb8: {  	s31 =	sshll.u32 s1, $0xD;
	s1 =	sshrl.u32 s1, $0x2  }
0xb9: {  	s3 =	sand.u32 $0x4000, s31;
	s1 =	sadd.s32 s1, s30  }
0xba: {  	s0 =	sor.u32 s3, s0;
	s1 =	sshll.u32 s1, $0x11  }
0xbb: {  	s0 =	sor.u32 s1, s0  }
0xbc: {  	s0 =	sadd.s32 $0x8F2B, s0  }
0xbd: {  	[sflag:s0] =	ssyncadd.remote.s32 $0x1  }
0xbe: {  	_ =	sfence.sel $0xFFFF  }
0xbf: {  	[dreg:$0x0] =	wrdreg $0xFFFFFFFF;
	(pc) =	sbr.abs _section_cstart, $3  }
0xc0: {  	[dreg:$0x1] =	wrdreg $0xFFFFFFFF  }
0xc1: {  	_ =	task.clear_ibuf [dreg:s7], $0x2FFFF;
	_ =	strace $0x9FFFFFFF  }
0xc2: {  	(tm) =	ssettm $0x7FFFFFFF  }
0xc3: {  	_ =	shalt  }
tec
execute0_lowered:
.L_overlay_start_1:
0x0: {  	(tag) =	ssettag $0x1  }
0x1: {  	s1 =	srdreg.scid;
	s0 =	stileid.u32  }
0x2: {  	s30 =	sand.u32 $0x1, s1;
	s25 =	sshll.u32 s0, $0x1  }
0x3: {  	s11 =	sor.u32 s30, s25  }
0x4: {  	s3 =	rddreg [dreg:$0x0];
	s4 =	smul.u32 $0x4E2, s11  }
0x5: {  	s9 =	rddreg [dreg:$0x1];
	s2 =	simm.s32 $0x0  }
0x6: {  	[smem:$0x7FF] =	sst s2;
	s3 =	sadd.s32 s3, s4  }
0x7: {  	_ =	strace $0x80000047;
	[dreg:$0x3] =	wrdreg s3  }
0x8: {  	s3 =	simm.s32 $0x5;
	s26 =	rddreg [dreg:$0x3]  }
0x9: {  	[tilespmem:s2], [sflag:$0x5] =	stream.linear.gather [hbm4b:s26+s2], $0x2710, $0x38;
	[tilespmem:$0x12110] =	vst v63  }
0xa: {  	_ =	swait.ge [sflag:s3], $0x2710  }
0xb: {  	s5 =	simm.s32 $0x3E8;
	[sflag:s3] =	ssyncset.done $0x0  }
0xc: {  	s6 =	simm.s32 $0x2710;
	s4 =	sadd.s32 $0x1400, s9;
	[sflag:s3] =	ssyncadd.s32 $0xFFFFD8F0  }
0xd: {  	[tilespmem:s6], [sflag:$0x1] =	stream.indirect.gather [hbm4b:s4+s5], $0x20, s2, s5, $0xb8;
	[tilespmem:$0x12110] =	vst v63  }
0xe: {  	s7 =	simm.s32 $0xA410;
	s8 =	simm.s32 $0x1  }
0xf: {  	[tilespmem:s7], [sflag:$0x2] =	stream.indirect.gather [hbm4b:s4+s5], $0x20, s5, s5, $0xb8;
	[tilespmem:$0x12110] =	vst v63  }
0x10: {  	s10 =	smul.u32 $0x9C40, s11;
	_ =	swait.ge [sflag:s8], $0x7D00  }
0x11: {  	s13 =	sadd.s32 $0xB200, s9;
	[sflag:s8] =	ssyncset.done $0x0  }
0x12: {  	s9 =	sadd.s32 s13, s10;
	s10 =	simm.s32 $0x3;
	[sflag:s8] =	ssyncadd.s32 $0xFFFF8300  }
0x13: {  	[hbm4b:s9+s2] =	stream.linear.scatter [tilespmem:s6], [sflag:$0x3], $0x7D00, $0x38;
	[tilespmem:$0x12110] =	vst v63  }
0x14: {  	_ =	swait.ge [sflag:s10], $0x7D00  }
0x15: {  	s12 =	simm.s32 $0x2;
	[sflag:s10] =	ssyncset.done $0x0  }
0x16: {  	s14 =	smul.u32 $0x4E200, s11;
	s11 =	simm.s32 $0x7D0;
	[sflag:s10] =	ssyncadd.s32 $0xFFFF8300  }
0x17: {  	[tilespmem:s6], [sflag:$0x1] =	stream.indirect.gather [hbm4b:s4+s5], $0x20, s11, s5, $0xb8;
	[tilespmem:$0x12110] =	vst v63  }
0x18: {  	s14 =	sshrl.u32 s14, $0x3;
	_ =	swait.ge [sflag:s12], $0x7D00  }
0x19: {  	s31 =	sadd.s32 s13, s14;
	[sflag:s12] =	ssyncset.done $0x0  }
0x1a: {  	s13 =	simm.s32 $0x4;
	s14 =	sadd.s32 $0xFA0, s31;
	[sflag:s12] =	ssyncadd.s32 $0xFFFF8300  }
0x1b: {  	[hbm4b:s14+s2] =	stream.linear.scatter [tilespmem:s7], [sflag:$0x4], $0x7D00, $0x38;
	[tilespmem:$0x12110] =	vst v63  }
0x1c: {  	_ =	swait.ge [sflag:s13], $0x7D00  }
0x1d: {  	[sflag:s13] =	ssyncset.done $0x0  }
0x1e: {  	s15 =	simm.s32 $0xBB8;
	[sflag:s13] =	ssyncadd.s32 $0xFFFF8300  }
0x1f: {  	[tilespmem:s7], [sflag:$0x2] =	stream.indirect.gather [hbm4b:s4+s5], $0x20, s15, s5, $0xb8;
	[tilespmem:$0x12110] =	vst v63  }
0x20: {  	_ =	swait.ge [sflag:s8], $0x7D00  }
0x21: {  	[sflag:s8] =	ssyncset.done $0x0  }
0x22: {  	s16 =	sadd.s32 $0x1F40, s31;
	[sflag:s8] =	ssyncadd.s32 $0xFFFF8300  }
0x23: {  	[hbm4b:s16+s2] =	stream.linear.scatter [tilespmem:s6], [sflag:$0x3], $0x7D00, $0x38;
	[tilespmem:$0x12110] =	vst v63  }
0x24: {  	_ =	swait.ge [sflag:s10], $0x7D00  }
0x25: {  	[sflag:s10] =	ssyncset.done $0x0  }
0x26: {  	s17 =	simm.s32 $0xFA0;
	[sflag:s10] =	ssyncadd.s32 $0xFFFF8300  }
0x27: {  	[tilespmem:s6], [sflag:$0x1] =	stream.indirect.gather [hbm4b:s4+s5], $0x20, s17, s5, $0xb8;
	[tilespmem:$0x12110] =	vst v63  }
0x28: {  	_ =	swait.ge [sflag:s12], $0x7D00  }
0x29: {  	[sflag:s12] =	ssyncset.done $0x0  }
0x2a: {  	s18 =	sadd.s32 $0x2EE0, s31;
	[sflag:s12] =	ssyncadd.s32 $0xFFFF8300  }
0x2b: {  	[hbm4b:s18+s2] =	stream.linear.scatter [tilespmem:s7], [sflag:$0x4], $0x7D00, $0x38;
	[tilespmem:$0x12110] =	vst v63  }
0x2c: {  	_ =	swait.ge [sflag:s13], $0x7D00  }
0x2d: {  	[sflag:s13] =	ssyncset.done $0x0  }
0x2e: {  	s19 =	simm.s32 $0x1388;
	[sflag:s13] =	ssyncadd.s32 $0xFFFF8300  }
0x2f: {  	[tilespmem:s7], [sflag:$0x2] =	stream.indirect.gather [hbm4b:s4+s5], $0x20, s19, s5, $0xb8;
	[tilespmem:$0x12110] =	vst v63  }
0x30: {  	_ =	swait.ge [sflag:s8], $0x7D00  }
0x31: {  	[sflag:s8] =	ssyncset.done $0x0  }
0x32: {  	s20 =	sadd.s32 $0x3E80, s31;
	[sflag:s8] =	ssyncadd.s32 $0xFFFF8300  }
0x33: {  	[hbm4b:s20+s2] =	stream.linear.scatter [tilespmem:s6], [sflag:$0x3], $0x7D00, $0x38;
	[tilespmem:$0x12110] =	vst v63  }
0x34: {  	_ =	swait.ge [sflag:s10], $0x7D00  }
0x35: {  	[sflag:s10] =	ssyncset.done $0x0  }
0x36: {  	s21 =	simm.s32 $0x1770;
	[sflag:s10] =	ssyncadd.s32 $0xFFFF8300  }
0x37: {  	[tilespmem:s6], [sflag:$0x1] =	stream.indirect.gather [hbm4b:s4+s5], $0x20, s21, s5, $0xb8;
	[tilespmem:$0x12110] =	vst v63  }
0x38: {  	_ =	swait.ge [sflag:s12], $0x7D00  }
0x39: {  	[sflag:s12] =	ssyncset.done $0x0  }
0x3a: {  	s22 =	sadd.s32 $0x4E20, s31;
	[sflag:s12] =	ssyncadd.s32 $0xFFFF8300  }
0x3b: {  	[hbm4b:s22+s2] =	stream.linear.scatter [tilespmem:s7], [sflag:$0x4], $0x7D00, $0x38;
	[tilespmem:$0x12110] =	vst v63  }
0x3c: {  	_ =	swait.ge [sflag:s13], $0x7D00  }
0x3d: {  	[sflag:s13] =	ssyncset.done $0x0  }
0x3e: {  	s23 =	simm.s32 $0x1B58;
	[sflag:s13] =	ssyncadd.s32 $0xFFFF8300  }
0x3f: {  	[tilespmem:s7], [sflag:$0x2] =	stream.indirect.gather [hbm4b:s4+s5], $0x20, s23, s5, $0xb8;
	[tilespmem:$0x12110] =	vst v63  }
0x40: {  	_ =	swait.ge [sflag:s8], $0x7D00  }
0x41: {  	[sflag:s8] =	ssyncset.done $0x0  }
0x42: {  	s24 =	sadd.s32 $0x5DC0, s31;
	[sflag:s8] =	ssyncadd.s32 $0xFFFF8300  }
0x43: {  	[hbm4b:s24+s2] =	stream.linear.scatter [tilespmem:s6], [sflag:$0x3], $0x7D00, $0x38;
	[tilespmem:$0x12110] =	vst v63  }
0x44: {  	_ =	swait.ge [sflag:s10], $0x7D00  }
0x45: {  	[sflag:s10] =	ssyncset.done $0x0  }
0x46: {  	s25 =	simm.s32 $0x1F40;
	[sflag:s10] =	ssyncadd.s32 $0xFFFF8300  }
0x47: {  	[tilespmem:s6], [sflag:$0x1] =	stream.indirect.gather [hbm4b:s4+s5], $0x20, s25, s5, $0xb8;
	[tilespmem:$0x12110] =	vst v63  }
0x48: {  	_ =	swait.ge [sflag:s12], $0x7D00  }
0x49: {  	[sflag:s12] =	ssyncset.done $0x0  }
0x4a: {  	s26 =	sadd.s32 $0x6D60, s31;
	[sflag:s12] =	ssyncadd.s32 $0xFFFF8300  }
0x4b: {  	[hbm4b:s26+s2] =	stream.linear.scatter [tilespmem:s7], [sflag:$0x4], $0x7D00, $0x38;
	[tilespmem:$0x12110] =	vst v63  }
0x4c: {  	_ =	swait.ge [sflag:s13], $0x7D00  }
0x4d: {  	[sflag:s13] =	ssyncset.done $0x0  }
0x4e: {  	s28 =	simm.s32 $0x2328;
	[sflag:s13] =	ssyncadd.s32 $0xFFFF8300  }
0x4f: {  	[tilespmem:s7], [sflag:$0x2] =	stream.indirect.gather [hbm4b:s4+s5], $0x20, s28, s5, $0xb8;
	[tilespmem:$0x12110] =	vst v63  }
0x50: {  	_ =	swait.ge [sflag:s8], $0x7D00  }
0x51: {  	s1 =	ssub.s32 $0x2, s30;
	s29 =	sadd.s32 $0x7D00, s31;
	[sflag:s8] =	ssyncset.done $0x0  }
0x52: {  	s30 =	sadd.s32 $0x8CA0, s31;
	s31 =	sshrl.u32 s1, $0x1;
	[sflag:s8] =	ssyncadd.s32 $0xFFFF8300  }
0x53: {  	[hbm4b:s29+s2] =	stream.linear.scatter [tilespmem:s6], [sflag:$0x3], $0x7D00, $0x38;
	[tilespmem:$0x12110] =	vst v63  }
0x54: {  	s1 =	ssub.s32 s1, s31;
	_ =	swait.ge [sflag:s12], $0x7D00  }
0x55: {  	s1 =	smax.u32 s1, $0x1;
	[sflag:s12] =	ssyncset.done $0x0  }
0x56: {  	p0 =	sne.s32 s1, $0x1;
	[sflag:s12] =	ssyncadd.s32 $0xFFFF8300  }
0x57: {  	[hbm4b:s30+s2] =	stream.linear.scatter [tilespmem:s7], [sflag:$0x4], $0x7D00, $0x38;
	[tilespmem:$0x12110] =	vst v63  }
.Ltmp0:
0x58: {  	_ =	swait.ge [sflag:s10], $0x7D00;
	(pc) =	sbr.rel @!p0 .LBB2_2-.Ltmp0, $4  }
0x59: {  	[sflag:s10] =	ssyncset.done $0x0  }
0x5a: {  	[sflag:s10] =	ssyncadd.s32 $0xFFFF8300  }
0x5b: {  	_ =	swait.ge [sflag:s13], $0x7D00  }
0x5c: {  	s31 =	sadd.s32 $0xFFFFFFFF, s1;
	[sflag:s13] =	ssyncset.done $0x0  }
.LBB2_1:
0x5d: {  	s1 =	rddreg [dreg:$0x3];
	[sflag:s13] =	ssyncadd.s32 $0xFFFF8300  }
0x5e: {  	[tilespmem:s2], [sflag:$0x5] =	stream.linear.gather [hbm4b:s1+s2], $0x2710, $0x38;
	[tilespmem:$0x12110] =	vst v63  }
0x5f: {  	_ =	swait.ge [sflag:s3], $0x2710  }
0x60: {  	[sflag:s3] =	ssyncset.done $0x0  }
0x61: {  	[sflag:s3] =	ssyncadd.s32 $0xFFFFD8F0  }
0x62: {  	[tilespmem:s6], [sflag:$0x1] =	stream.indirect.gather [hbm4b:s4+s5], $0x20, s2, s5, $0xb8;
	[tilespmem:$0x12110] =	vst v63  }
0x63: {  	_ = 	snop  }
0x64: {  	[tilespmem:s7], [sflag:$0x2] =	stream.indirect.gather [hbm4b:s4+s5], $0x20, s5, s5, $0xb8;
	[tilespmem:$0x12110] =	vst v63  }
0x65: {  	_ =	swait.ge [sflag:s8], $0x7D00  }
0x66: {  	[sflag:s8] =	ssyncset.done $0x0  }
0x67: {  	[sflag:s8] =	ssyncadd.s32 $0xFFFF8300  }
0x68: {  	[hbm4b:s9+s2] =	stream.linear.scatter [tilespmem:s6], [sflag:$0x3], $0x7D00, $0x38;
	[tilespmem:$0x12110] =	vst v63  }
0x69: {  	_ =	swait.ge [sflag:s10], $0x7D00  }
0x6a: {  	[sflag:s10] =	ssyncset.done $0x0  }
0x6b: {  	[sflag:s10] =	ssyncadd.s32 $0xFFFF8300  }
0x6c: {  	[tilespmem:s6], [sflag:$0x1] =	stream.indirect.gather [hbm4b:s4+s5], $0x20, s11, s5, $0xb8;
	[tilespmem:$0x12110] =	vst v63  }
0x6d: {  	_ =	swait.ge [sflag:s12], $0x7D00  }
0x6e: {  	[sflag:s12] =	ssyncset.done $0x0  }
0x6f: {  	[sflag:s12] =	ssyncadd.s32 $0xFFFF8300  }
0x70: {  	[hbm4b:s14+s2] =	stream.linear.scatter [tilespmem:s7], [sflag:$0x4], $0x7D00, $0x38;
	[tilespmem:$0x12110] =	vst v63  }
0x71: {  	_ =	swait.ge [sflag:s13], $0x7D00  }
0x72: {  	[sflag:s13] =	ssyncset.done $0x0  }
0x73: {  	[sflag:s13] =	ssyncadd.s32 $0xFFFF8300  }
0x74: {  	[tilespmem:s7], [sflag:$0x2] =	stream.indirect.gather [hbm4b:s4+s5], $0x20, s15, s5, $0xb8;
	[tilespmem:$0x12110] =	vst v63  }
0x75: {  	_ =	swait.ge [sflag:s8], $0x7D00  }
0x76: {  	[sflag:s8] =	ssyncset.done $0x0  }
0x77: {  	[sflag:s8] =	ssyncadd.s32 $0xFFFF8300  }
0x78: {  	[hbm4b:s16+s2] =	stream.linear.scatter [tilespmem:s6], [sflag:$0x3], $0x7D00, $0x38;
	[tilespmem:$0x12110] =	vst v63  }
0x79: {  	_ =	swait.ge [sflag:s10], $0x7D00  }
0x7a: {  	[sflag:s10] =	ssyncset.done $0x0  }
0x7b: {  	[sflag:s10] =	ssyncadd.s32 $0xFFFF8300  }
0x7c: {  	[tilespmem:s6], [sflag:$0x1] =	stream.indirect.gather [hbm4b:s4+s5], $0x20, s17, s5, $0xb8;
	[tilespmem:$0x12110] =	vst v63  }
0x7d: {  	_ =	swait.ge [sflag:s12], $0x7D00  }
0x7e: {  	[sflag:s12] =	ssyncset.done $0x0  }
0x7f: {  	[sflag:s12] =	ssyncadd.s32 $0xFFFF8300  }
0x80: {  	[hbm4b:s18+s2] =	stream.linear.scatter [tilespmem:s7], [sflag:$0x4], $0x7D00, $0x38;
	[tilespmem:$0x12110] =	vst v63  }
0x81: {  	_ =	swait.ge [sflag:s13], $0x7D00  }
0x82: {  	[sflag:s13] =	ssyncset.done $0x0  }
0x83: {  	[sflag:s13] =	ssyncadd.s32 $0xFFFF8300  }
0x84: {  	[tilespmem:s7], [sflag:$0x2] =	stream.indirect.gather [hbm4b:s4+s5], $0x20, s19, s5, $0xb8;
	[tilespmem:$0x12110] =	vst v63  }
0x85: {  	_ =	swait.ge [sflag:s8], $0x7D00  }
0x86: {  	[sflag:s8] =	ssyncset.done $0x0  }
0x87: {  	[sflag:s8] =	ssyncadd.s32 $0xFFFF8300  }
0x88: {  	[hbm4b:s20+s2] =	stream.linear.scatter [tilespmem:s6], [sflag:$0x3], $0x7D00, $0x38;
	[tilespmem:$0x12110] =	vst v63  }
0x89: {  	_ =	swait.ge [sflag:s10], $0x7D00  }
0x8a: {  	[sflag:s10] =	ssyncset.done $0x0  }
0x8b: {  	[sflag:s10] =	ssyncadd.s32 $0xFFFF8300  }
0x8c: {  	[tilespmem:s6], [sflag:$0x1] =	stream.indirect.gather [hbm4b:s4+s5], $0x20, s21, s5, $0xb8;
	[tilespmem:$0x12110] =	vst v63  }
0x8d: {  	_ =	swait.ge [sflag:s12], $0x7D00  }
0x8e: {  	[sflag:s12] =	ssyncset.done $0x0  }
0x8f: {  	[sflag:s12] =	ssyncadd.s32 $0xFFFF8300  }
0x90: {  	[hbm4b:s22+s2] =	stream.linear.scatter [tilespmem:s7], [sflag:$0x4], $0x7D00, $0x38;
	[tilespmem:$0x12110] =	vst v63  }
0x91: {  	_ =	swait.ge [sflag:s13], $0x7D00  }
0x92: {  	[sflag:s13] =	ssyncset.done $0x0  }
0x93: {  	[sflag:s13] =	ssyncadd.s32 $0xFFFF8300  }
0x94: {  	[tilespmem:s7], [sflag:$0x2] =	stream.indirect.gather [hbm4b:s4+s5], $0x20, s23, s5, $0xb8;
	[tilespmem:$0x12110] =	vst v63  }
0x95: {  	_ =	swait.ge [sflag:s8], $0x7D00  }
0x96: {  	[sflag:s8] =	ssyncset.done $0x0  }
0x97: {  	[sflag:s8] =	ssyncadd.s32 $0xFFFF8300  }
0x98: {  	[hbm4b:s24+s2] =	stream.linear.scatter [tilespmem:s6], [sflag:$0x3], $0x7D00, $0x38;
	[tilespmem:$0x12110] =	vst v63  }
0x99: {  	_ =	swait.ge [sflag:s10], $0x7D00  }
0x9a: {  	[sflag:s10] =	ssyncset.done $0x0  }
0x9b: {  	[sflag:s10] =	ssyncadd.s32 $0xFFFF8300  }
0x9c: {  	[tilespmem:s6], [sflag:$0x1] =	stream.indirect.gather [hbm4b:s4+s5], $0x20, s25, s5, $0xb8;
	[tilespmem:$0x12110] =	vst v63  }
0x9d: {  	_ =	swait.ge [sflag:s12], $0x7D00  }
0x9e: {  	[sflag:s12] =	ssyncset.done $0x0  }
0x9f: {  	[sflag:s12] =	ssyncadd.s32 $0xFFFF8300  }
0xa0: {  	[hbm4b:s26+s2] =	stream.linear.scatter [tilespmem:s7], [sflag:$0x4], $0x7D00, $0x38;
	[tilespmem:$0x12110] =	vst v63  }
0xa1: {  	_ =	swait.ge [sflag:s13], $0x7D00  }
0xa2: {  	[sflag:s13] =	ssyncset.done $0x0  }
0xa3: {  	[sflag:s13] =	ssyncadd.s32 $0xFFFF8300  }
0xa4: {  	[tilespmem:s7], [sflag:$0x2] =	stream.indirect.gather [hbm4b:s4+s5], $0x20, s28, s5, $0xb8;
	[tilespmem:$0x12110] =	vst v63  }
0xa5: {  	_ =	swait.ge [sflag:s8], $0x7D00  }
0xa6: {  	[sflag:s8] =	ssyncset.done $0x0  }
0xa7: {  	[sflag:s8] =	ssyncadd.s32 $0xFFFF8300  }
0xa8: {  	[hbm4b:s29+s2] =	stream.linear.scatter [tilespmem:s6], [sflag:$0x3], $0x7D00, $0x38;
	[tilespmem:$0x12110] =	vst v63  }
0xa9: {  	_ =	swait.ge [sflag:s12], $0x7D00  }
0xaa: {  	[sflag:s12] =	ssyncset.done $0x0  }
0xab: {  	p0 =	sne.s32 s31, $0x1;
	[sflag:s12] =	ssyncadd.s32 $0xFFFF8300  }
0xac: {  	[hbm4b:s30+s2] =	stream.linear.scatter [tilespmem:s7], [sflag:$0x4], $0x7D00, $0x38;
	[tilespmem:$0x12110] =	vst v63  }
.Ltmp1:
0xad: {  	_ =	swait.ge [sflag:s10], $0x7D00;
	(pc) =	sbr.rel @p0 .LBB2_1-.Ltmp1, $4  }
0xae: {  	[sflag:s10] =	ssyncset.done $0x0  }
0xaf: {  	[sflag:s10] =	ssyncadd.s32 $0xFFFF8300  }
0xb0: {  	_ =	swait.ge [sflag:s13], $0x7D00  }
0xb1: {  	s31 =	sadd.s32 $0xFFFFFFFF, s31;
	[sflag:s13] =	ssyncset.done $0x0  }
.LBB2_2:
0xb2: {  	[sflag:s13] =	ssyncadd.s32 $0xFFFF8300  }
0xb3: {  	_ =	sfence.sel $0x180000  }
0xb4: {  	[bflag:$0x0] =	sbarrier.arrive $0xFFFF  }
0xb5: {  	_ =	strace $0x90000047  }
0xb6: {  	[bflag:$0x2] =	sbarrier.arrive $0xFFFF  }
0xb7: {  	p0 =	sne.s32 s0, $0x0;
	s0 =	rddreg [dreg:$0x2]  }
0xb8: {  	s0 =	sadd.s32 @!p0 $0x100000, s0  }
0xb9: {  	[sflag:s0] =	ssyncadd.tile.s32 @!p0 $0x1;
	_ =	shalt  }
.Lfunc_end2:
_tile_overlayer_lowered:
.L_overlay_start_2:
0xba: {  	(tag) =	ssettag $0x2  }
0xbb: {  	s0 =	rddreg [dreg:$0x0];
	s2 =	stileid.u32  }
0xbc: {  	s1 =	rddreg [dreg:$0x1];
	p0 =	sne.s32 s2, $0x0  }
0xbd: {  	s3 =	rddreg [dreg:$0x2];
	[bflag:$0x3] =	sbarrier.arrive $0xFFFF;
	s2 =	simm.s32 @!p0 $0x1C05  }
0xbe: {  	[timem:s3], [sflag:s2] =	dma.local @!p0 [hbm:s0], s1  }
0xbf: {  	s0 =	simm.s32 @!p0 $0x5  }
0xc0: {  	_ =	swait.ge @!p0 [sflag:s0], s1  }
0xc1: {  	s1 =	ssub.s32 @!p0 $0x0, s1;
	[sflag:s0] =	ssyncset.done @!p0 $0x0  }
0xc2: {  	[sflag:s0] =	ssyncadd.s32 @!p0 s1  }
0xc3: {  	[bflag:$0x3] =	sbarrier.arrive $0xFFFF  }
0xc4: {  	_ =	shalt  }

</sc_bundles>
